<compile_context>
chip_gen: v7x
topology: tpu7x:2x2x1
jax: 0.10.2.dev20260603
libtpu: 0.0.44.dev20260713+nightly
codegen_flags: <defaults>
</compile_context>

<pallas_src>
import jax
import jax.numpy as jnp
from jax.experimental import pallas as pl
from jax.experimental.pallas import tpu as pltpu
from jax.experimental.pallas import tpu_sc as plsc

BB = 8
K = 1
TCB = 32


def _sc_gather_chunk(idx, table, k, chunk_b):
    B, T = idx.shape
    V, D = table.shape
    mesh = plsc.VectorSubcoreMesh(core_axis_name="c", subcore_axis_name="s")
    base = k * (chunk_b // BB)

    @pl.kernel(
        out_type=jax.ShapeDtypeStruct((chunk_b * T, D), table.dtype),
        mesh=mesh,
        scratch_types=[pltpu.SemaphoreType.DMA],
    )
    def gather_kernel(table_hbm, idx_hbm, out_hbm, sem):
        def body(i_vmem, o_vmem):
            copies = [
                pltpu.async_copy(
                    table_hbm.at[i_vmem.at[j]],
                    o_vmem.at[pl.ds(j * T, T)],
                    sem,
                )
                for j in range(BB)
            ]
            for cp in copies:
                cp.wait()

        pltpu.emit_pipeline(
            body,
            grid=(chunk_b // BB,),
            in_specs=[pl.BlockSpec((BB, T), lambda i: (base + i, 0))],
            out_specs=[pl.BlockSpec((BB * T, D), lambda i: (i, 0))],
            core_axis_name=("c", "s"),
            dimension_semantics=(pltpu.PARALLEL,),
        )(idx_hbm, out_hbm)

    return gather_kernel(table, idx)


def _tc_assemble(acc, rows, k, chunk_b, B, T, D):
    grid = chunk_b // TCB
    base = k * grid

    def body(*refs):
        in_ref, o_ref = refs[-2], refs[-1]
        for j in range(TCB):
            o_ref[j] = in_ref[pl.ds(j * T, T), :]

    if acc is None:
        in_specs = [pl.BlockSpec((TCB * T, D), lambda i: (i, 0))]
        aliases = {}
        args = (rows,)
    else:
        in_specs = [
            pl.BlockSpec(memory_space=pl.ANY),
            pl.BlockSpec((TCB * T, D), lambda i: (i, 0)),
        ]
        aliases = {0: 0}
        args = (acc, rows)

    return pl.pallas_call(
        body,
        grid=(grid,),
        in_specs=in_specs,
        out_specs=pl.BlockSpec((TCB, T, D), lambda i: (base + i, 0, 0)),
        out_shape=jax.ShapeDtypeStruct((B, T, D), jnp.float32),
        input_output_aliases=aliases,
    )(*args)


def kernel(value, table):
    B, T = value.shape
    V, D = table.shape
    idx = value.astype(jnp.int32)
    chunk_b = B // K

    parts = [_sc_gather_chunk(idx, table, k, chunk_b) for k in range(K)]
    acc = None
    for k in range(K):
        acc = _tc_assemble(acc, parts[k], k, chunk_b, B, T, D)
    return acc

# --- scband reference (transcript-rebuilt; emitter-appended) ---
"""Pipeline reference for scband-feature-embedding-60361470378667 (READ-ONLY COPY).

The authoritative reference and input builder live on the scoring server;
editing this copy changes nothing except your own understanding.
"""

import jax, jax.numpy as jnp
import numpy as np

VOCAB = 100000
D_MODEL = 128
B = 4096
T = 50

def setup_inputs(seed: int = 0) -> dict:
    key = jax.random.key(seed)
    k1, k2 = jax.random.split(key)
    value = jax.random.randint(k1, (B, T), 0, VOCAB)
    # nn.Embedding weight: (category_size, d_model), default init N(0,1)
    table = jax.random.normal(k2, (VOCAB, D_MODEL), dtype=jnp.float32)
    return {"value": value, "table": table}

def reference(value, table):
    # categorical, time-varying feature: value is (B, T) ints -> (B, T, d_model)
    idx = value.astype(jnp.int32)
    return jnp.take(table, idx, axis=0)

if __name__ == "__main__":
    import jax
    _d = setup_inputs()
    print(jax.jit(kernel)(*tuple(_d.values())))

</pallas_src>

<mosaic_0001>
#map = affine_map<(d0, d1) -> (0, 0)>
module attributes {stable_mosaic.version = 14 : i64} {
  func.func @gather_kernel(%arg0: i32, %arg1: i32, %arg2: memref<100000x128xf32, #tpu.memory_space<hbm>>, %arg3: memref<4096x50xi32, #tpu.memory_space<hbm>>, %arg4: memref<204800x128xf32, #tpu.memory_space<hbm>>, %arg5: memref<!tpu.dma_semaphore, #tpu.memory_space<semaphore_mem>>) attributes {dimension_semantics = [#tpu.dimension_semantics<core_parallel>, #tpu.dimension_semantics<subcore_parallel>], iteration_bounds = array<i64: 2, 16>, scalar_prefetch = 0 : i64, scratch_operands = 1 : i64, tpu.core_type = #tpu.core_type<sc_vector_subcore>, window_params = [{transform_indices = #map}, {transform_indices = #map}, {transform_indices = #map}]} {
    %mul3A = arith.constant 1 : i32
    %mul3A_0 = arith.muli %arg1, %mul3A : i32
    %add3A = arith.constant 0 : i32
    %add3A_1 = arith.addi %add3A, %mul3A_0 : i32
    %mul3A_2 = arith.constant 16 : i32
    %mul3A_3 = arith.muli %arg0, %mul3A_2 : i32
    %add3A_4 = arith.addi %add3A_1, %mul3A_3 : i32
    %mul3A_5 = arith.constant 16 : i32
    %mul3A_6 = arith.muli %add3A_4, %mul3A_5 : i32
    "tpu.region"() ({
      %run_scoped3A = memref.alloca() : memref<2x8x50xi32, #tpu.memory_space<vmem>>
      %run_scoped3A_7 = tpu.sem_alloc : memref<2x!tpu.dma_semaphore, #tpu.memory_space<semaphore_mem>>
      %run_scoped3A_8 = memref.alloca() : memref<2x400x128xf32, #tpu.memory_space<vmem>>
      %run_scoped3A_9 = tpu.sem_alloc : memref<2x!tpu.dma_semaphore, #tpu.memory_space<semaphore_mem>>
      %add3A_10 = arith.constant 0 : i32
      %add3A_11 = arith.addi %add3A_10, %mul3A_6 : i32
      %select_n3A = arith.constant true
      %select_n3A_12 = arith.constant 0 : i32
      %select_n3A_13 = arith.constant -1 : i32
      %select_n3A_14 = arith.select %select_n3A, %select_n3A_13, %select_n3A_12 : i32
      %eq3A = arith.constant -1 : i32
      %eq3A_15 = arith.cmpi eq, %select_n3A_14, %eq3A : i32
      %select_n3A_16 = arith.constant 15 : i32
      %select_n3A_17 = arith.select %eq3A_15, %select_n3A_16, %select_n3A_14 : i32
      %add3A_18 = arith.addi %select_n3A_17, %mul3A_6 : i32
      %select_n3A_19 = arith.constant true
      %select_n3A_20 = arith.constant 0 : i32
      %select_n3A_21 = arith.constant 1 : i32
      %select_n3A_22 = arith.select %select_n3A_19, %select_n3A_21, %select_n3A_20 : i32
      %eq3A_23 = arith.constant 16 : i32
      %eq3A_24 = arith.cmpi eq, %select_n3A_22, %eq3A_23 : i32
      %select_n3A_25 = arith.constant 0 : i32
      %select_n3A_26 = arith.select %eq3A_24, %select_n3A_25, %select_n3A_22 : i32
      %add3A_27 = arith.addi %select_n3A_26, %mul3A_6 : i32
      %add3A_28 = arith.constant 1 : i32
      %add3A_29 = arith.addi %select_n3A_26, %add3A_28 : i32
      %select_n3A_30 = arith.constant true
      %select_n3A_31 = arith.select %select_n3A_30, %add3A_29, %select_n3A_26 : i32
      %eq3A_32 = arith.constant 16 : i32
      %eq3A_33 = arith.cmpi eq, %select_n3A_31, %eq3A_32 : i32
      %select_n3A_34 = arith.constant 0 : i32
      %select_n3A_35 = arith.select %eq3A_33, %select_n3A_34, %select_n3A_31 : i32
      %add3A_36 = arith.addi %select_n3A_35, %mul3A_6 : i32
      "tpu.trace_start"() <{level = 10 : i32, message = "ep_initialize_0"}> : () -> ()
      %rem3A = arith.constant 0 : i32
      %rem3A_37 = arith.constant 2 : i32
      %rem3A_38 = arith.remui %rem3A, %rem3A_37 : i32
      %add3A_39 = arith.constant 0 : i32
      %add3A_40 = arith.addi %add3A_39, %add3A_11 : i32
      %mul3A_41 = arith.constant 8 : i32
      %mul3A_42 = arith.muli %mul3A_41, %add3A_40 : i32
      %dma_start3A = arith.constant 0 : i32
      %dma_start3A_43 = arith.constant 0 : i32
      %dma_start3A_44 = tpu.memref_slice %run_scoped3A[%rem3A_38, %dma_start3A, %dma_start3A_43] : memref<2x8x50xi32, #tpu.memory_space<vmem>> -> memref<1x8x50xi32, #tpu.memory_space<vmem>>
      %dma_start3A_45 = tpu.memref_squeeze %dma_start3A_44 : memref<1x8x50xi32, #tpu.memory_space<vmem>> -> memref<8x50xi32, #tpu.memory_space<vmem>>
      %dma_start3A_46 = arith.constant 0 : i32
      %dma_start3A_47 = tpu.memref_slice %arg3[%mul3A_42, %dma_start3A_46] : memref<4096x50xi32, #tpu.memory_space<hbm>> -> memref<8x50xi32, #tpu.memory_space<hbm>>
      %dma_start3A_48 = tpu.memref_slice %run_scoped3A_7[%rem3A_38] : memref<2x!tpu.dma_semaphore, #tpu.memory_space<semaphore_mem>> -> memref<1x!tpu.dma_semaphore, #tpu.memory_space<semaphore_mem>>
      %dma_start3A_49 = tpu.memref_squeeze %dma_start3A_48 : memref<1x!tpu.dma_semaphore, #tpu.memory_space<semaphore_mem>> -> memref<!tpu.dma_semaphore, #tpu.memory_space<semaphore_mem>>
      %dma_start3A_50 = arith.constant 0 : i32
      %dma_start3A_51 = arith.constant 0 : i32
      %dma_start3A_52 = tpu.memref_slice %run_scoped3A[%rem3A_38, %dma_start3A_50, %dma_start3A_51] : memref<2x8x50xi32, #tpu.memory_space<vmem>> -> memref<1x8x50xi32, #tpu.memory_space<vmem>>
      %dma_start3A_53 = tpu.memref_squeeze %dma_start3A_52 : memref<1x8x50xi32, #tpu.memory_space<vmem>> -> memref<8x50xi32, #tpu.memory_space<vmem>>
      %dma_start3A_54 = arith.constant 0 : i32
      %dma_start3A_55 = tpu.memref_slice %arg3[%mul3A_42, %dma_start3A_54] : memref<4096x50xi32, #tpu.memory_space<hbm>> -> memref<8x50xi32, #tpu.memory_space<hbm>>
      tpu.enqueue_dma source(%dma_start3A_55 : memref<8x50xi32, #tpu.memory_space<hbm>>) target(%dma_start3A_53 : memref<8x50xi32, #tpu.memory_space<vmem>>) target_semaphore(%dma_start3A_49 : memref<!tpu.dma_semaphore, #tpu.memory_space<semaphore_mem>>)
      %add3A_56 = arith.constant 0 : i32
      %add3A_57 = arith.constant 1 : i32
      %add3A_58 = arith.addi %add3A_56, %add3A_57 : i32
      %select_n3A_59 = arith.constant true
      %select_n3A_60 = arith.constant 0 : i32
      %select_n3A_61 = arith.select %select_n3A_59, %add3A_58, %select_n3A_60 : i32
      "tpu.trace_stop"() : () -> ()
      %scan3A = arith.constant 0 : i32
      %scan3A_62 = arith.constant 0 : i32
      %scan3A_63 = arith.constant 0 : i32
      %scan3A_64 = arith.constant 0 : i32
      %scan3A_65 = arith.constant 0 : i32
      %scan3A_66 = arith.constant 16 : i32
      %scan3A_67 = arith.addi %scan3A_65, %scan3A_66 : i32
      %scan3A_68 = arith.constant 1 : i32
      %scan3A_69:5 = scf.for %scan3A_123 = %scan3A_65 to %scan3A_67 step %scan3A_68 iter_args(%scan3A_124 = %select_n3A_61, %scan3A_125 = %scan3A, %scan3A_126 = %scan3A_62, %scan3A_127 = %scan3A_63, %scan3A_128 = %scan3A_64) -> (i32, i32, i32, i32, i32)  : i32 {
        %eq3A_129 = arith.constant 0 : i32
        %eq3A_130 = arith.cmpi eq, %scan3A_123, %eq3A_129 : i32
        %eq3A_131 = arith.constant 15 : i32
        %eq3A_132 = arith.cmpi eq, %scan3A_123, %eq3A_131 : i32
        %add3A_133 = arith.addi %scan3A_128, %mul3A_6 : i32
        %sub3A_134 = arith.constant 1 : i32
        %sub3A_135 = arith.subi %scan3A_128, %sub3A_134 : i32
        %select_n3A_136 = arith.constant true
        %select_n3A_137 = arith.select %select_n3A_136, %sub3A_135, %scan3A_128 : i32
        %eq3A_138 = arith.constant -1 : i32
        %eq3A_139 = arith.cmpi eq, %select_n3A_137, %eq3A_138 : i32
        %select_n3A_140 = arith.constant 15 : i32
        %select_n3A_141 = arith.select %eq3A_139, %select_n3A_140, %select_n3A_137 : i32
        %add3A_142 = arith.addi %select_n3A_141, %mul3A_6 : i32
        %add3A_143 = arith.constant 1 : i32
        %add3A_144 = arith.addi %scan3A_128, %add3A_143 : i32
        %select_n3A_145 = arith.constant true
        %select_n3A_146 = arith.select %select_n3A_145, %add3A_144, %scan3A_128 : i32
        %eq3A_147 = arith.constant 16 : i32
        %eq3A_148 = arith.cmpi eq, %select_n3A_146, %eq3A_147 : i32
        %select_n3A_149 = arith.constant 0 : i32
        %select_n3A_150 = arith.select %eq3A_148, %select_n3A_149, %select_n3A_146 : i32
        %add3A_151 = arith.addi %select_n3A_150, %mul3A_6 : i32
        %add3A_152 = arith.constant 1 : i32
        %add3A_153 = arith.addi %select_n3A_150, %add3A_152 : i32
        %select_n3A_154 = arith.constant true
        %select_n3A_155 = arith.select %select_n3A_154, %add3A_153, %select_n3A_150 : i32
        %eq3A_156 = arith.constant 16 : i32
        %eq3A_157 = arith.cmpi eq, %select_n3A_155, %eq3A_156 : i32
        %select_n3A_158 = arith.constant 0 : i32
        %select_n3A_159 = arith.select %eq3A_157, %select_n3A_158, %select_n3A_155 : i32
        %add3A_160 = arith.addi %select_n3A_159, %mul3A_6 : i32
        %add3A_161 = arith.constant 0 : i32
        %add3A_162 = arith.addi %add3A_161, %add3A_133 : i32
        %add3A_163 = arith.constant 0 : i32
        %add3A_164 = arith.addi %add3A_163, %add3A_151 : i32
        %ne3A = arith.cmpi ne, %add3A_162, %add3A_164 : i32
        %or3A = arith.constant false
        %or3A_165 = arith.ori %or3A, %ne3A : i1
        %or3A_166 = arith.constant false
        %or3A_167 = arith.ori %or3A_165, %or3A_166 : i1
        %ge3A = arith.constant 15 : i32
        %ge3A_168 = arith.cmpi sge, %scan3A_123, %ge3A : i32
        %not3A = arith.constant true
        %not3A_169 = arith.xori %ge3A_168, %not3A : i1
        %and3A = arith.andi %or3A_167, %not3A_169 : i1
        %convert_element_type3A = arith.extui %and3A : i1 to i32
        %cond3A = arith.constant 0 : i32
        %cond3A_170 = arith.cmpi ne, %convert_element_type3A, %cond3A : i32
        scf.if %cond3A_170 {
          "tpu.trace_start"() <{level = 10 : i32, message = "ep_copy_in"}> : () -> ()
          %rem3A_583 = arith.constant 2 : i32
          %rem3A_584 = arith.remui %scan3A_124, %rem3A_583 : i32
          %add3A_585 = arith.constant 0 : i32
          %add3A_586 = arith.addi %add3A_585, %add3A_151 : i32
          %mul3A_587 = arith.constant 8 : i32
          %mul3A_588 = arith.muli %mul3A_587, %add3A_586 : i32
          %dma_start3A_589 = arith.constant 0 : i32
          %dma_start3A_590 = arith.constant 0 : i32
          %dma_start3A_591 = tpu.memref_slice %run_scoped3A[%rem3A_584, %dma_start3A_589, %dma_start3A_590] : memref<2x8x50xi32, #tpu.memory_space<vmem>> -> memref<1x8x50xi32, #tpu.memory_space<vmem>>
          %dma_start3A_592 = tpu.memref_squeeze %dma_start3A_591 : memref<1x8x50xi32, #tpu.memory_space<vmem>> -> memref<8x50xi32, #tpu.memory_space<vmem>>
          %dma_start3A_593 = arith.constant 0 : i32
          %dma_start3A_594 = tpu.memref_slice %arg3[%mul3A_588, %dma_start3A_593] : memref<4096x50xi32, #tpu.memory_space<hbm>> -> memref<8x50xi32, #tpu.memory_space<hbm>>
          %dma_start3A_595 = tpu.memref_slice %run_scoped3A_7[%rem3A_584] : memref<2x!tpu.dma_semaphore, #tpu.memory_space<semaphore_mem>> -> memref<1x!tpu.dma_semaphore, #tpu.memory_space<semaphore_mem>>
          %dma_start3A_596 = tpu.memref_squeeze %dma_start3A_595 : memref<1x!tpu.dma_semaphore, #tpu.memory_space<semaphore_mem>> -> memref<!tpu.dma_semaphore, #tpu.memory_space<semaphore_mem>>
          %dma_start3A_597 = arith.constant 0 : i32
          %dma_start3A_598 = arith.constant 0 : i32
          %dma_start3A_599 = tpu.memref_slice %run_scoped3A[%rem3A_584, %dma_start3A_597, %dma_start3A_598] : memref<2x8x50xi32, #tpu.memory_space<vmem>> -> memref<1x8x50xi32, #tpu.memory_space<vmem>>
          %dma_start3A_600 = tpu.memref_squeeze %dma_start3A_599 : memref<1x8x50xi32, #tpu.memory_space<vmem>> -> memref<8x50xi32, #tpu.memory_space<vmem>>
          %dma_start3A_601 = arith.constant 0 : i32
          %dma_start3A_602 = tpu.memref_slice %arg3[%mul3A_588, %dma_start3A_601] : memref<4096x50xi32, #tpu.memory_space<hbm>> -> memref<8x50xi32, #tpu.memory_space<hbm>>
          tpu.enqueue_dma source(%dma_start3A_602 : memref<8x50xi32, #tpu.memory_space<hbm>>) target(%dma_start3A_600 : memref<8x50xi32, #tpu.memory_space<vmem>>) target_semaphore(%dma_start3A_596 : memref<!tpu.dma_semaphore, #tpu.memory_space<semaphore_mem>>)
          "tpu.trace_stop"() : () -> ()
        } else {
        }
        %and3A_171 = arith.constant true
        %and3A_172 = arith.andi %and3A, %and3A_171 : i1
        %add3A_173 = arith.constant 1 : i32
        %add3A_174 = arith.addi %scan3A_124, %add3A_173 : i32
        %select_n3A_175 = arith.select %and3A_172, %add3A_174, %scan3A_124 : i32
        %ne3A_176 = arith.cmpi ne, %add3A_133, %add3A_151 : i32
        %or3A_177 = arith.constant false
        %or3A_178 = arith.ori %or3A_177, %ne3A_176 : i1
        %or3A_179 = arith.constant false
        %or3A_180 = arith.ori %or3A_178, %or3A_179 : i1
        %ge3A_181 = arith.constant 15 : i32
        %ge3A_182 = arith.cmpi sge, %scan3A_123, %ge3A_181 : i32
        %not3A_183 = arith.constant true
        %not3A_184 = arith.xori %ge3A_182, %not3A_183 : i1
        %and3A_185 = arith.andi %or3A_180, %not3A_184 : i1
        %add3A_186 = arith.constant 0 : i32
        %add3A_187 = arith.addi %add3A_186, %add3A_133 : i32
        %add3A_188 = arith.constant 0 : i32
        %add3A_189 = arith.addi %add3A_188, %add3A_142 : i32
        %ne3A_190 = arith.cmpi ne, %add3A_187, %add3A_189 : i32
        %or3A_191 = arith.constant false
        %or3A_192 = arith.ori %or3A_191, %ne3A_190 : i1
        %or3A_193 = arith.constant false
        %or3A_194 = arith.ori %or3A_192, %or3A_193 : i1
        %or3A_195 = arith.ori %or3A_194, %eq3A_130 : i1
        %convert_element_type3A_196 = arith.extui %or3A_195 : i1 to i32
        %cond3A_197 = arith.constant 0 : i32
        %cond3A_198 = arith.cmpi ne, %convert_element_type3A_196, %cond3A_197 : i32
        scf.if %cond3A_198 {
          "tpu.trace_start"() <{level = 10 : i32, message = "ep_wait_in"}> : () -> ()
          %add3A_583 = arith.constant 0 : i32
          %add3A_584 = arith.addi %add3A_583, %add3A_133 : i32
          %mul3A_585 = arith.constant 8 : i32
          %mul3A_586 = arith.muli %mul3A_585, %add3A_584 : i32
          %rem3A_587 = arith.constant 2 : i32
          %rem3A_588 = arith.remui %scan3A_125, %rem3A_587 : i32
          %dma_wait3A_589 = arith.constant 0 : i32
          %dma_wait3A_590 = arith.constant 0 : i32
          %dma_wait3A_591 = tpu.memref_slice %run_scoped3A[%rem3A_588, %dma_wait3A_589, %dma_wait3A_590] : memref<2x8x50xi32, #tpu.memory_space<vmem>> -> memref<1x8x50xi32, #tpu.memory_space<vmem>>
          %dma_wait3A_592 = tpu.memref_squeeze %dma_wait3A_591 : memref<1x8x50xi32, #tpu.memory_space<vmem>> -> memref<8x50xi32, #tpu.memory_space<vmem>>
          %dma_wait3A_593 = arith.constant 0 : i32
          %dma_wait3A_594 = tpu.memref_slice %arg3[%mul3A_586, %dma_wait3A_593] : memref<4096x50xi32, #tpu.memory_space<hbm>> -> memref<8x50xi32, #tpu.memory_space<hbm>>
          %dma_wait3A_595 = tpu.memref_slice %run_scoped3A_7[%rem3A_588] : memref<2x!tpu.dma_semaphore, #tpu.memory_space<semaphore_mem>> -> memref<1x!tpu.dma_semaphore, #tpu.memory_space<semaphore_mem>>
          %dma_wait3A_596 = tpu.memref_squeeze %dma_wait3A_595 : memref<1x!tpu.dma_semaphore, #tpu.memory_space<semaphore_mem>> -> memref<!tpu.dma_semaphore, #tpu.memory_space<semaphore_mem>>
          %dma_wait3A_597 = arith.constant 0 : i32
          %dma_wait3A_598 = arith.constant 0 : i32
          %dma_wait3A_599 = tpu.memref_slice %run_scoped3A[%rem3A_588, %dma_wait3A_597, %dma_wait3A_598] : memref<2x8x50xi32, #tpu.memory_space<vmem>> -> memref<1x8x50xi32, #tpu.memory_space<vmem>>
          %dma_wait3A_600 = tpu.memref_squeeze %dma_wait3A_599 : memref<1x8x50xi32, #tpu.memory_space<vmem>> -> memref<8x50xi32, #tpu.memory_space<vmem>>
          %dma_wait3A_601 = arith.constant 0 : i32
          %dma_wait3A_602 = tpu.memref_slice %arg3[%mul3A_586, %dma_wait3A_601] : memref<4096x50xi32, #tpu.memory_space<hbm>> -> memref<8x50xi32, #tpu.memory_space<hbm>>
          tpu.wait_dma2 semaphore(%dma_wait3A_596 : memref<!tpu.dma_semaphore, #tpu.memory_space<semaphore_mem>>) src(%dma_wait3A_602 : memref<8x50xi32, #tpu.memory_space<hbm>>) dst(%dma_wait3A_600 : memref<8x50xi32, #tpu.memory_space<vmem>>)
          "tpu.trace_stop"() : () -> ()
        } else {
        }
        %ne3A_199 = arith.cmpi ne, %add3A_133, %add3A_142 : i32
        %or3A_200 = arith.constant false
        %or3A_201 = arith.ori %or3A_200, %ne3A_199 : i1
        %or3A_202 = arith.constant false
        %or3A_203 = arith.ori %or3A_201, %or3A_202 : i1
        %or3A_204 = arith.ori %or3A_203, %eq3A_130 : i1
        %convert_element_type3A_205 = arith.extui %or3A_204 : i1 to i32
        %cond3A_206 = arith.constant 0 : i32
        %cond3A_207 = arith.cmpi ne, %convert_element_type3A_205, %cond3A_206 : i32
        scf.if %cond3A_207 {
        } else {
        }
        %rem3A_208 = arith.constant 2 : i32
        %rem3A_209 = arith.remui %scan3A_125, %rem3A_208 : i32
        %rem3A_210 = arith.constant 2 : i32
        %rem3A_211 = arith.remui %scan3A_126, %rem3A_210 : i32
        %dma_start3A_212 = arith.constant 0 : i32
        "tpu.trace_start"() <{level = 10 : i32, message = "ep_run_kernel"}> : () -> ()
        %dma_start3A_213 = arith.constant 0 : i32
        %dma_start3A_214 = arith.constant 0 : i32
        %dma_start3A_215 = tpu.memref_slice %run_scoped3A_8[%rem3A_211, %dma_start3A_213, %dma_start3A_214] : memref<2x400x128xf32, #tpu.memory_space<vmem>> -> memref<1x400x128xf32, #tpu.memory_space<vmem>>
        %dma_start3A_216 = tpu.memref_squeeze %dma_start3A_215 : memref<1x400x128xf32, #tpu.memory_space<vmem>> -> memref<400x128xf32, #tpu.memory_space<vmem>>
        %dma_start3A_217 = arith.constant 0 : i32
        %dma_start3A_218 = arith.constant 0 : i32
        %dma_start3A_219 = tpu.memref_slice %dma_start3A_216[%dma_start3A_217, %dma_start3A_218] : memref<400x128xf32, #tpu.memory_space<vmem>> -> memref<50x128xf32, #tpu.memory_space<vmem>>
        %dma_start3A_220 = arith.constant 0 : i32
        %dma_start3A_221 = arith.constant 0 : i32
        %dma_start3A_222 = tpu.memref_slice %run_scoped3A[%rem3A_209, %dma_start3A_220, %dma_start3A_221] : memref<2x8x50xi32, #tpu.memory_space<vmem>> -> memref<1x8x50xi32, #tpu.memory_space<vmem>>
        %dma_start3A_223 = tpu.memref_squeeze %dma_start3A_222 : memref<1x8x50xi32, #tpu.memory_space<vmem>> -> memref<8x50xi32, #tpu.memory_space<vmem>>
        %dma_start3A_224 = arith.constant 0 : i32
        %dma_start3A_225 = tpu.memref_slice %dma_start3A_223[%dma_start3A_212, %dma_start3A_224] : memref<8x50xi32, #tpu.memory_space<vmem>> -> memref<1x50xi32, #tpu.memory_space<vmem>>
        %dma_start3A_226 = tpu.memref_squeeze %dma_start3A_225 : memref<1x50xi32, #tpu.memory_space<vmem>> -> memref<50xi32, #tpu.memory_space<vmem>>
        %dma_start3A_227 = arith.constant 0 : i32
        %dma_start3A_228 = arith.constant 0 : i32
        %dma_start3A_229 = tpu.memref_slice %arg2[%dma_start3A_227, %dma_start3A_228] : memref<100000x128xf32, #tpu.memory_space<hbm>> -> memref<100000x128xf32, #tpu.memory_space<hbm>>
        tpu.enqueue_indirect_dma source(%dma_start3A_229 : memref<100000x128xf32, #tpu.memory_space<hbm>>) target(%dma_start3A_219 : memref<50x128xf32, #tpu.memory_space<vmem>>) offsets(%dma_start3A_226 : memref<50xi32, #tpu.memory_space<vmem>>) semaphore(%arg5 : memref<!tpu.dma_semaphore, #tpu.memory_space<semaphore_mem>>)
        %dma_start3A_230 = arith.constant 1 : i32
        %dma_start3A_231 = arith.constant 0 : i32
        %dma_start3A_232 = arith.constant 0 : i32
        %dma_start3A_233 = tpu.memref_slice %run_scoped3A_8[%rem3A_211, %dma_start3A_231, %dma_start3A_232] : memref<2x400x128xf32, #tpu.memory_space<vmem>> -> memref<1x400x128xf32, #tpu.memory_space<vmem>>
        %dma_start3A_234 = tpu.memref_squeeze %dma_start3A_233 : memref<1x400x128xf32, #tpu.memory_space<vmem>> -> memref<400x128xf32, #tpu.memory_space<vmem>>
        %dma_start3A_235 = arith.constant 50 : i32
        %dma_start3A_236 = arith.constant 0 : i32
        %dma_start3A_237 = tpu.memref_slice %dma_start3A_234[%dma_start3A_235, %dma_start3A_236] : memref<400x128xf32, #tpu.memory_space<vmem>> -> memref<50x128xf32, #tpu.memory_space<vmem>>
        %dma_start3A_238 = arith.constant 0 : i32
        %dma_start3A_239 = arith.constant 0 : i32
        %dma_start3A_240 = tpu.memref_slice %run_scoped3A[%rem3A_209, %dma_start3A_238, %dma_start3A_239] : memref<2x8x50xi32, #tpu.memory_space<vmem>> -> memref<1x8x50xi32, #tpu.memory_space<vmem>>
        %dma_start3A_241 = tpu.memref_squeeze %dma_start3A_240 : memref<1x8x50xi32, #tpu.memory_space<vmem>> -> memref<8x50xi32, #tpu.memory_space<vmem>>
        %dma_start3A_242 = arith.constant 0 : i32
        %dma_start3A_243 = tpu.memref_slice %dma_start3A_241[%dma_start3A_230, %dma_start3A_242] : memref<8x50xi32, #tpu.memory_space<vmem>> -> memref<1x50xi32, #tpu.memory_space<vmem>>
        %dma_start3A_244 = tpu.memref_squeeze %dma_start3A_243 : memref<1x50xi32, #tpu.memory_space<vmem>> -> memref<50xi32, #tpu.memory_space<vmem>>
        %dma_start3A_245 = arith.constant 0 : i32
        %dma_start3A_246 = arith.constant 0 : i32
        %dma_start3A_247 = tpu.memref_slice %arg2[%dma_start3A_245, %dma_start3A_246] : memref<100000x128xf32, #tpu.memory_space<hbm>> -> memref<100000x128xf32, #tpu.memory_space<hbm>>
        tpu.enqueue_indirect_dma source(%dma_start3A_247 : memref<100000x128xf32, #tpu.memory_space<hbm>>) target(%dma_start3A_237 : memref<50x128xf32, #tpu.memory_space<vmem>>) offsets(%dma_start3A_244 : memref<50xi32, #tpu.memory_space<vmem>>) semaphore(%arg5 : memref<!tpu.dma_semaphore, #tpu.memory_space<semaphore_mem>>)
        %dma_start3A_248 = arith.constant 2 : i32
        %dma_start3A_249 = arith.constant 0 : i32
        %dma_start3A_250 = arith.constant 0 : i32
        %dma_start3A_251 = tpu.memref_slice %run_scoped3A_8[%rem3A_211, %dma_start3A_249, %dma_start3A_250] : memref<2x400x128xf32, #tpu.memory_space<vmem>> -> memref<1x400x128xf32, #tpu.memory_space<vmem>>
        %dma_start3A_252 = tpu.memref_squeeze %dma_start3A_251 : memref<1x400x128xf32, #tpu.memory_space<vmem>> -> memref<400x128xf32, #tpu.memory_space<vmem>>
        %dma_start3A_253 = arith.constant 100 : i32
        %dma_start3A_254 = arith.constant 0 : i32
        %dma_start3A_255 = tpu.memref_slice %dma_start3A_252[%dma_start3A_253, %dma_start3A_254] : memref<400x128xf32, #tpu.memory_space<vmem>> -> memref<50x128xf32, #tpu.memory_space<vmem>>
        %dma_start3A_256 = arith.constant 0 : i32
        %dma_start3A_257 = arith.constant 0 : i32
        %dma_start3A_258 = tpu.memref_slice %run_scoped3A[%rem3A_209, %dma_start3A_256, %dma_start3A_257] : memref<2x8x50xi32, #tpu.memory_space<vmem>> -> memref<1x8x50xi32, #tpu.memory_space<vmem>>
        %dma_start3A_259 = tpu.memref_squeeze %dma_start3A_258 : memref<1x8x50xi32, #tpu.memory_space<vmem>> -> memref<8x50xi32, #tpu.memory_space<vmem>>
        %dma_start3A_260 = arith.constant 0 : i32
        %dma_start3A_261 = tpu.memref_slice %dma_start3A_259[%dma_start3A_248, %dma_start3A_260] : memref<8x50xi32, #tpu.memory_space<vmem>> -> memref<1x50xi32, #tpu.memory_space<vmem>>
        %dma_start3A_262 = tpu.memref_squeeze %dma_start3A_261 : memref<1x50xi32, #tpu.memory_space<vmem>> -> memref<50xi32, #tpu.memory_space<vmem>>
        %dma_start3A_263 = arith.constant 0 : i32
        %dma_start3A_264 = arith.constant 0 : i32
        %dma_start3A_265 = tpu.memref_slice %arg2[%dma_start3A_263, %dma_start3A_264] : memref<100000x128xf32, #tpu.memory_space<hbm>> -> memref<100000x128xf32, #tpu.memory_space<hbm>>
        tpu.enqueue_indirect_dma source(%dma_start3A_265 : memref<100000x128xf32, #tpu.memory_space<hbm>>) target(%dma_start3A_255 : memref<50x128xf32, #tpu.memory_space<vmem>>) offsets(%dma_start3A_262 : memref<50xi32, #tpu.memory_space<vmem>>) semaphore(%arg5 : memref<!tpu.dma_semaphore, #tpu.memory_space<semaphore_mem>>)
        %dma_start3A_266 = arith.constant 3 : i32
        %dma_start3A_267 = arith.constant 0 : i32
        %dma_start3A_268 = arith.constant 0 : i32
        %dma_start3A_269 = tpu.memref_slice %run_scoped3A_8[%rem3A_211, %dma_start3A_267, %dma_start3A_268] : memref<2x400x128xf32, #tpu.memory_space<vmem>> -> memref<1x400x128xf32, #tpu.memory_space<vmem>>
        %dma_start3A_270 = tpu.memref_squeeze %dma_start3A_269 : memref<1x400x128xf32, #tpu.memory_space<vmem>> -> memref<400x128xf32, #tpu.memory_space<vmem>>
        %dma_start3A_271 = arith.constant 150 : i32
        %dma_start3A_272 = arith.constant 0 : i32
        %dma_start3A_273 = tpu.memref_slice %dma_start3A_270[%dma_start3A_271, %dma_start3A_272] : memref<400x128xf32, #tpu.memory_space<vmem>> -> memref<50x128xf32, #tpu.memory_space<vmem>>
        %dma_start3A_274 = arith.constant 0 : i32
        %dma_start3A_275 = arith.constant 0 : i32
        %dma_start3A_276 = tpu.memref_slice %run_scoped3A[%rem3A_209, %dma_start3A_274, %dma_start3A_275] : memref<2x8x50xi32, #tpu.memory_space<vmem>> -> memref<1x8x50xi32, #tpu.memory_space<vmem>>
        %dma_start3A_277 = tpu.memref_squeeze %dma_start3A_276 : memref<1x8x50xi32, #tpu.memory_space<vmem>> -> memref<8x50xi32, #tpu.memory_space<vmem>>
        %dma_start3A_278 = arith.constant 0 : i32
        %dma_start3A_279 = tpu.memref_slice %dma_start3A_277[%dma_start3A_266, %dma_start3A_278] : memref<8x50xi32, #tpu.memory_space<vmem>> -> memref<1x50xi32, #tpu.memory_space<vmem>>
        %dma_start3A_280 = tpu.memref_squeeze %dma_start3A_279 : memref<1x50xi32, #tpu.memory_space<vmem>> -> memref<50xi32, #tpu.memory_space<vmem>>
        %dma_start3A_281 = arith.constant 0 : i32
        %dma_start3A_282 = arith.constant 0 : i32
        %dma_start3A_283 = tpu.memref_slice %arg2[%dma_start3A_281, %dma_start3A_282] : memref<100000x128xf32, #tpu.memory_space<hbm>> -> memref<100000x128xf32, #tpu.memory_space<hbm>>
        tpu.enqueue_indirect_dma source(%dma_start3A_283 : memref<100000x128xf32, #tpu.memory_space<hbm>>) target(%dma_start3A_273 : memref<50x128xf32, #tpu.memory_space<vmem>>) offsets(%dma_start3A_280 : memref<50xi32, #tpu.memory_space<vmem>>) semaphore(%arg5 : memref<!tpu.dma_semaphore, #tpu.memory_space<semaphore_mem>>)
        %dma_start3A_284 = arith.constant 4 : i32
        %dma_start3A_285 = arith.constant 0 : i32
        %dma_start3A_286 = arith.constant 0 : i32
        %dma_start3A_287 = tpu.memref_slice %run_scoped3A_8[%rem3A_211, %dma_start3A_285, %dma_start3A_286] : memref<2x400x128xf32, #tpu.memory_space<vmem>> -> memref<1x400x128xf32, #tpu.memory_space<vmem>>
        %dma_start3A_288 = tpu.memref_squeeze %dma_start3A_287 : memref<1x400x128xf32, #tpu.memory_space<vmem>> -> memref<400x128xf32, #tpu.memory_space<vmem>>
        %dma_start3A_289 = arith.constant 200 : i32
        %dma_start3A_290 = arith.constant 0 : i32
        %dma_start3A_291 = tpu.memref_slice %dma_start3A_288[%dma_start3A_289, %dma_start3A_290] : memref<400x128xf32, #tpu.memory_space<vmem>> -> memref<50x128xf32, #tpu.memory_space<vmem>>
        %dma_start3A_292 = arith.constant 0 : i32
        %dma_start3A_293 = arith.constant 0 : i32
        %dma_start3A_294 = tpu.memref_slice %run_scoped3A[%rem3A_209, %dma_start3A_292, %dma_start3A_293] : memref<2x8x50xi32, #tpu.memory_space<vmem>> -> memref<1x8x50xi32, #tpu.memory_space<vmem>>
        %dma_start3A_295 = tpu.memref_squeeze %dma_start3A_294 : memref<1x8x50xi32, #tpu.memory_space<vmem>> -> memref<8x50xi32, #tpu.memory_space<vmem>>
        %dma_start3A_296 = arith.constant 0 : i32
        %dma_start3A_297 = tpu.memref_slice %dma_start3A_295[%dma_start3A_284, %dma_start3A_296] : memref<8x50xi32, #tpu.memory_space<vmem>> -> memref<1x50xi32, #tpu.memory_space<vmem>>
        %dma_start3A_298 = tpu.memref_squeeze %dma_start3A_297 : memref<1x50xi32, #tpu.memory_space<vmem>> -> memref<50xi32, #tpu.memory_space<vmem>>
        %dma_start3A_299 = arith.constant 0 : i32
        %dma_start3A_300 = arith.constant 0 : i32
        %dma_start3A_301 = tpu.memref_slice %arg2[%dma_start3A_299, %dma_start3A_300] : memref<100000x128xf32, #tpu.memory_space<hbm>> -> memref<100000x128xf32, #tpu.memory_space<hbm>>
        tpu.enqueue_indirect_dma source(%dma_start3A_301 : memref<100000x128xf32, #tpu.memory_space<hbm>>) target(%dma_start3A_291 : memref<50x128xf32, #tpu.memory_space<vmem>>) offsets(%dma_start3A_298 : memref<50xi32, #tpu.memory_space<vmem>>) semaphore(%arg5 : memref<!tpu.dma_semaphore, #tpu.memory_space<semaphore_mem>>)
        %dma_start3A_302 = arith.constant 5 : i32
        %dma_start3A_303 = arith.constant 0 : i32
        %dma_start3A_304 = arith.constant 0 : i32
        %dma_start3A_305 = tpu.memref_slice %run_scoped3A_8[%rem3A_211, %dma_start3A_303, %dma_start3A_304] : memref<2x400x128xf32, #tpu.memory_space<vmem>> -> memref<1x400x128xf32, #tpu.memory_space<vmem>>
        %dma_start3A_306 = tpu.memref_squeeze %dma_start3A_305 : memref<1x400x128xf32, #tpu.memory_space<vmem>> -> memref<400x128xf32, #tpu.memory_space<vmem>>
        %dma_start3A_307 = arith.constant 250 : i32
        %dma_start3A_308 = arith.constant 0 : i32
        %dma_start3A_309 = tpu.memref_slice %dma_start3A_306[%dma_start3A_307, %dma_start3A_308] : memref<400x128xf32, #tpu.memory_space<vmem>> -> memref<50x128xf32, #tpu.memory_space<vmem>>
        %dma_start3A_310 = arith.constant 0 : i32
        %dma_start3A_311 = arith.constant 0 : i32
        %dma_start3A_312 = tpu.memref_slice %run_scoped3A[%rem3A_209, %dma_start3A_310, %dma_start3A_311] : memref<2x8x50xi32, #tpu.memory_space<vmem>> -> memref<1x8x50xi32, #tpu.memory_space<vmem>>
        %dma_start3A_313 = tpu.memref_squeeze %dma_start3A_312 : memref<1x8x50xi32, #tpu.memory_space<vmem>> -> memref<8x50xi32, #tpu.memory_space<vmem>>
        %dma_start3A_314 = arith.constant 0 : i32
        %dma_start3A_315 = tpu.memref_slice %dma_start3A_313[%dma_start3A_302, %dma_start3A_314] : memref<8x50xi32, #tpu.memory_space<vmem>> -> memref<1x50xi32, #tpu.memory_space<vmem>>
        %dma_start3A_316 = tpu.memref_squeeze %dma_start3A_315 : memref<1x50xi32, #tpu.memory_space<vmem>> -> memref<50xi32, #tpu.memory_space<vmem>>
        %dma_start3A_317 = arith.constant 0 : i32
        %dma_start3A_318 = arith.constant 0 : i32
        %dma_start3A_319 = tpu.memref_slice %arg2[%dma_start3A_317, %dma_start3A_318] : memref<100000x128xf32, #tpu.memory_space<hbm>> -> memref<100000x128xf32, #tpu.memory_space<hbm>>
        tpu.enqueue_indirect_dma source(%dma_start3A_319 : memref<100000x128xf32, #tpu.memory_space<hbm>>) target(%dma_start3A_309 : memref<50x128xf32, #tpu.memory_space<vmem>>) offsets(%dma_start3A_316 : memref<50xi32, #tpu.memory_space<vmem>>) semaphore(%arg5 : memref<!tpu.dma_semaphore, #tpu.memory_space<semaphore_mem>>)
        %dma_start3A_320 = arith.constant 6 : i32
        %dma_start3A_321 = arith.constant 0 : i32
        %dma_start3A_322 = arith.constant 0 : i32
        %dma_start3A_323 = tpu.memref_slice %run_scoped3A_8[%rem3A_211, %dma_start3A_321, %dma_start3A_322] : memref<2x400x128xf32, #tpu.memory_space<vmem>> -> memref<1x400x128xf32, #tpu.memory_space<vmem>>
        %dma_start3A_324 = tpu.memref_squeeze %dma_start3A_323 : memref<1x400x128xf32, #tpu.memory_space<vmem>> -> memref<400x128xf32, #tpu.memory_space<vmem>>
        %dma_start3A_325 = arith.constant 300 : i32
        %dma_start3A_326 = arith.constant 0 : i32
        %dma_start3A_327 = tpu.memref_slice %dma_start3A_324[%dma_start3A_325, %dma_start3A_326] : memref<400x128xf32, #tpu.memory_space<vmem>> -> memref<50x128xf32, #tpu.memory_space<vmem>>
        %dma_start3A_328 = arith.constant 0 : i32
        %dma_start3A_329 = arith.constant 0 : i32
        %dma_start3A_330 = tpu.memref_slice %run_scoped3A[%rem3A_209, %dma_start3A_328, %dma_start3A_329] : memref<2x8x50xi32, #tpu.memory_space<vmem>> -> memref<1x8x50xi32, #tpu.memory_space<vmem>>
        %dma_start3A_331 = tpu.memref_squeeze %dma_start3A_330 : memref<1x8x50xi32, #tpu.memory_space<vmem>> -> memref<8x50xi32, #tpu.memory_space<vmem>>
        %dma_start3A_332 = arith.constant 0 : i32
        %dma_start3A_333 = tpu.memref_slice %dma_start3A_331[%dma_start3A_320, %dma_start3A_332] : memref<8x50xi32, #tpu.memory_space<vmem>> -> memref<1x50xi32, #tpu.memory_space<vmem>>
        %dma_start3A_334 = tpu.memref_squeeze %dma_start3A_333 : memref<1x50xi32, #tpu.memory_space<vmem>> -> memref<50xi32, #tpu.memory_space<vmem>>
        %dma_start3A_335 = arith.constant 0 : i32
        %dma_start3A_336 = arith.constant 0 : i32
        %dma_start3A_337 = tpu.memref_slice %arg2[%dma_start3A_335, %dma_start3A_336] : memref<100000x128xf32, #tpu.memory_space<hbm>> -> memref<100000x128xf32, #tpu.memory_space<hbm>>
        tpu.enqueue_indirect_dma source(%dma_start3A_337 : memref<100000x128xf32, #tpu.memory_space<hbm>>) target(%dma_start3A_327 : memref<50x128xf32, #tpu.memory_space<vmem>>) offsets(%dma_start3A_334 : memref<50xi32, #tpu.memory_space<vmem>>) semaphore(%arg5 : memref<!tpu.dma_semaphore, #tpu.memory_space<semaphore_mem>>)
        %dma_start3A_338 = arith.constant 7 : i32
        %dma_start3A_339 = arith.constant 0 : i32
        %dma_start3A_340 = arith.constant 0 : i32
        %dma_start3A_341 = tpu.memref_slice %run_scoped3A_8[%rem3A_211, %dma_start3A_339, %dma_start3A_340] : memref<2x400x128xf32, #tpu.memory_space<vmem>> -> memref<1x400x128xf32, #tpu.memory_space<vmem>>
        %dma_start3A_342 = tpu.memref_squeeze %dma_start3A_341 : memref<1x400x128xf32, #tpu.memory_space<vmem>> -> memref<400x128xf32, #tpu.memory_space<vmem>>
        %dma_start3A_343 = arith.constant 350 : i32
        %dma_start3A_344 = arith.constant 0 : i32
        %dma_start3A_345 = tpu.memref_slice %dma_start3A_342[%dma_start3A_343, %dma_start3A_344] : memref<400x128xf32, #tpu.memory_space<vmem>> -> memref<50x128xf32, #tpu.memory_space<vmem>>
        %dma_start3A_346 = arith.constant 0 : i32
        %dma_start3A_347 = arith.constant 0 : i32
        %dma_start3A_348 = tpu.memref_slice %run_scoped3A[%rem3A_209, %dma_start3A_346, %dma_start3A_347] : memref<2x8x50xi32, #tpu.memory_space<vmem>> -> memref<1x8x50xi32, #tpu.memory_space<vmem>>
        %dma_start3A_349 = tpu.memref_squeeze %dma_start3A_348 : memref<1x8x50xi32, #tpu.memory_space<vmem>> -> memref<8x50xi32, #tpu.memory_space<vmem>>
        %dma_start3A_350 = arith.constant 0 : i32
        %dma_start3A_351 = tpu.memref_slice %dma_start3A_349[%dma_start3A_338, %dma_start3A_350] : memref<8x50xi32, #tpu.memory_space<vmem>> -> memref<1x50xi32, #tpu.memory_space<vmem>>
        %dma_start3A_352 = tpu.memref_squeeze %dma_start3A_351 : memref<1x50xi32, #tpu.memory_space<vmem>> -> memref<50xi32, #tpu.memory_space<vmem>>
        %dma_start3A_353 = arith.constant 0 : i32
        %dma_start3A_354 = arith.constant 0 : i32
        %dma_start3A_355 = tpu.memref_slice %arg2[%dma_start3A_353, %dma_start3A_354] : memref<100000x128xf32, #tpu.memory_space<hbm>> -> memref<100000x128xf32, #tpu.memory_space<hbm>>
        tpu.enqueue_indirect_dma source(%dma_start3A_355 : memref<100000x128xf32, #tpu.memory_space<hbm>>) target(%dma_start3A_345 : memref<50x128xf32, #tpu.memory_space<vmem>>) offsets(%dma_start3A_352 : memref<50xi32, #tpu.memory_space<vmem>>) semaphore(%arg5 : memref<!tpu.dma_semaphore, #tpu.memory_space<semaphore_mem>>)
        %dma_wait3A_356 = arith.constant 0 : i32
        %dma_wait3A_357 = arith.constant 0 : i32
        %dma_wait3A_358 = arith.constant 0 : i32
        %dma_wait3A_359 = tpu.memref_slice %run_scoped3A_8[%rem3A_211, %dma_wait3A_357, %dma_wait3A_358] : memref<2x400x128xf32, #tpu.memory_space<vmem>> -> memref<1x400x128xf32, #tpu.memory_space<vmem>>
        %dma_wait3A_360 = tpu.memref_squeeze %dma_wait3A_359 : memref<1x400x128xf32, #tpu.memory_space<vmem>> -> memref<400x128xf32, #tpu.memory_space<vmem>>
        %dma_wait3A_361 = arith.constant 0 : i32
        %dma_wait3A_362 = arith.constant 0 : i32
        %dma_wait3A_363 = tpu.memref_slice %dma_wait3A_360[%dma_wait3A_361, %dma_wait3A_362] : memref<400x128xf32, #tpu.memory_space<vmem>> -> memref<50x128xf32, #tpu.memory_space<vmem>>
        %dma_wait3A_364 = arith.constant 0 : i32
        %dma_wait3A_365 = arith.constant 0 : i32
        %dma_wait3A_366 = tpu.memref_slice %run_scoped3A[%rem3A_209, %dma_wait3A_364, %dma_wait3A_365] : memref<2x8x50xi32, #tpu.memory_space<vmem>> -> memref<1x8x50xi32, #tpu.memory_space<vmem>>
        %dma_wait3A_367 = tpu.memref_squeeze %dma_wait3A_366 : memref<1x8x50xi32, #tpu.memory_space<vmem>> -> memref<8x50xi32, #tpu.memory_space<vmem>>
        %dma_wait3A_368 = arith.constant 0 : i32
        %dma_wait3A_369 = tpu.memref_slice %dma_wait3A_367[%dma_wait3A_356, %dma_wait3A_368] : memref<8x50xi32, #tpu.memory_space<vmem>> -> memref<1x50xi32, #tpu.memory_space<vmem>>
        %dma_wait3A_370 = tpu.memref_squeeze %dma_wait3A_369 : memref<1x50xi32, #tpu.memory_space<vmem>> -> memref<50xi32, #tpu.memory_space<vmem>>
        %dma_wait3A_371 = arith.constant 0 : i32
        %dma_wait3A_372 = arith.constant 0 : i32
        %dma_wait3A_373 = tpu.memref_slice %arg2[%dma_wait3A_371, %dma_wait3A_372] : memref<100000x128xf32, #tpu.memory_space<hbm>> -> memref<100000x128xf32, #tpu.memory_space<hbm>>
        tpu.wait_indirect_dma semaphore(%arg5 : memref<!tpu.dma_semaphore, #tpu.memory_space<semaphore_mem>>) src(%dma_wait3A_373 : memref<100000x128xf32, #tpu.memory_space<hbm>>) dst(%dma_wait3A_363 : memref<50x128xf32, #tpu.memory_space<vmem>>)
        %dma_wait3A_374 = arith.constant 1 : i32
        %dma_wait3A_375 = arith.constant 0 : i32
        %dma_wait3A_376 = arith.constant 0 : i32
        %dma_wait3A_377 = tpu.memref_slice %run_scoped3A_8[%rem3A_211, %dma_wait3A_375, %dma_wait3A_376] : memref<2x400x128xf32, #tpu.memory_space<vmem>> -> memref<1x400x128xf32, #tpu.memory_space<vmem>>
        %dma_wait3A_378 = tpu.memref_squeeze %dma_wait3A_377 : memref<1x400x128xf32, #tpu.memory_space<vmem>> -> memref<400x128xf32, #tpu.memory_space<vmem>>
        %dma_wait3A_379 = arith.constant 50 : i32
        %dma_wait3A_380 = arith.constant 0 : i32
        %dma_wait3A_381 = tpu.memref_slice %dma_wait3A_378[%dma_wait3A_379, %dma_wait3A_380] : memref<400x128xf32, #tpu.memory_space<vmem>> -> memref<50x128xf32, #tpu.memory_space<vmem>>
        %dma_wait3A_382 = arith.constant 0 : i32
        %dma_wait3A_383 = arith.constant 0 : i32
        %dma_wait3A_384 = tpu.memref_slice %run_scoped3A[%rem3A_209, %dma_wait3A_382, %dma_wait3A_383] : memref<2x8x50xi32, #tpu.memory_space<vmem>> -> memref<1x8x50xi32, #tpu.memory_space<vmem>>
        %dma_wait3A_385 = tpu.memref_squeeze %dma_wait3A_384 : memref<1x8x50xi32, #tpu.memory_space<vmem>> -> memref<8x50xi32, #tpu.memory_space<vmem>>
        %dma_wait3A_386 = arith.constant 0 : i32
        %dma_wait3A_387 = tpu.memref_slice %dma_wait3A_385[%dma_wait3A_374, %dma_wait3A_386] : memref<8x50xi32, #tpu.memory_space<vmem>> -> memref<1x50xi32, #tpu.memory_space<vmem>>
        %dma_wait3A_388 = tpu.memref_squeeze %dma_wait3A_387 : memref<1x50xi32, #tpu.memory_space<vmem>> -> memref<50xi32, #tpu.memory_space<vmem>>
        %dma_wait3A_389 = arith.constant 0 : i32
        %dma_wait3A_390 = arith.constant 0 : i32
        %dma_wait3A_391 = tpu.memref_slice %arg2[%dma_wait3A_389, %dma_wait3A_390] : memref<100000x128xf32, #tpu.memory_space<hbm>> -> memref<100000x128xf32, #tpu.memory_space<hbm>>
        tpu.wait_indirect_dma semaphore(%arg5 : memref<!tpu.dma_semaphore, #tpu.memory_space<semaphore_mem>>) src(%dma_wait3A_391 : memref<100000x128xf32, #tpu.memory_space<hbm>>) dst(%dma_wait3A_381 : memref<50x128xf32, #tpu.memory_space<vmem>>)
        %dma_wait3A_392 = arith.constant 2 : i32
        %dma_wait3A_393 = arith.constant 0 : i32
        %dma_wait3A_394 = arith.constant 0 : i32
        %dma_wait3A_395 = tpu.memref_slice %run_scoped3A_8[%rem3A_211, %dma_wait3A_393, %dma_wait3A_394] : memref<2x400x128xf32, #tpu.memory_space<vmem>> -> memref<1x400x128xf32, #tpu.memory_space<vmem>>
        %dma_wait3A_396 = tpu.memref_squeeze %dma_wait3A_395 : memref<1x400x128xf32, #tpu.memory_space<vmem>> -> memref<400x128xf32, #tpu.memory_space<vmem>>
        %dma_wait3A_397 = arith.constant 100 : i32
        %dma_wait3A_398 = arith.constant 0 : i32
        %dma_wait3A_399 = tpu.memref_slice %dma_wait3A_396[%dma_wait3A_397, %dma_wait3A_398] : memref<400x128xf32, #tpu.memory_space<vmem>> -> memref<50x128xf32, #tpu.memory_space<vmem>>
        %dma_wait3A_400 = arith.constant 0 : i32
        %dma_wait3A_401 = arith.constant 0 : i32
        %dma_wait3A_402 = tpu.memref_slice %run_scoped3A[%rem3A_209, %dma_wait3A_400, %dma_wait3A_401] : memref<2x8x50xi32, #tpu.memory_space<vmem>> -> memref<1x8x50xi32, #tpu.memory_space<vmem>>
        %dma_wait3A_403 = tpu.memref_squeeze %dma_wait3A_402 : memref<1x8x50xi32, #tpu.memory_space<vmem>> -> memref<8x50xi32, #tpu.memory_space<vmem>>
        %dma_wait3A_404 = arith.constant 0 : i32
        %dma_wait3A_405 = tpu.memref_slice %dma_wait3A_403[%dma_wait3A_392, %dma_wait3A_404] : memref<8x50xi32, #tpu.memory_space<vmem>> -> memref<1x50xi32, #tpu.memory_space<vmem>>
        %dma_wait3A_406 = tpu.memref_squeeze %dma_wait3A_405 : memref<1x50xi32, #tpu.memory_space<vmem>> -> memref<50xi32, #tpu.memory_space<vmem>>
        %dma_wait3A_407 = arith.constant 0 : i32
        %dma_wait3A_408 = arith.constant 0 : i32
        %dma_wait3A_409 = tpu.memref_slice %arg2[%dma_wait3A_407, %dma_wait3A_408] : memref<100000x128xf32, #tpu.memory_space<hbm>> -> memref<100000x128xf32, #tpu.memory_space<hbm>>
        tpu.wait_indirect_dma semaphore(%arg5 : memref<!tpu.dma_semaphore, #tpu.memory_space<semaphore_mem>>) src(%dma_wait3A_409 : memref<100000x128xf32, #tpu.memory_space<hbm>>) dst(%dma_wait3A_399 : memref<50x128xf32, #tpu.memory_space<vmem>>)
        %dma_wait3A_410 = arith.constant 3 : i32
        %dma_wait3A_411 = arith.constant 0 : i32
        %dma_wait3A_412 = arith.constant 0 : i32
        %dma_wait3A_413 = tpu.memref_slice %run_scoped3A_8[%rem3A_211, %dma_wait3A_411, %dma_wait3A_412] : memref<2x400x128xf32, #tpu.memory_space<vmem>> -> memref<1x400x128xf32, #tpu.memory_space<vmem>>
        %dma_wait3A_414 = tpu.memref_squeeze %dma_wait3A_413 : memref<1x400x128xf32, #tpu.memory_space<vmem>> -> memref<400x128xf32, #tpu.memory_space<vmem>>
        %dma_wait3A_415 = arith.constant 150 : i32
        %dma_wait3A_416 = arith.constant 0 : i32
        %dma_wait3A_417 = tpu.memref_slice %dma_wait3A_414[%dma_wait3A_415, %dma_wait3A_416] : memref<400x128xf32, #tpu.memory_space<vmem>> -> memref<50x128xf32, #tpu.memory_space<vmem>>
        %dma_wait3A_418 = arith.constant 0 : i32
        %dma_wait3A_419 = arith.constant 0 : i32
        %dma_wait3A_420 = tpu.memref_slice %run_scoped3A[%rem3A_209, %dma_wait3A_418, %dma_wait3A_419] : memref<2x8x50xi32, #tpu.memory_space<vmem>> -> memref<1x8x50xi32, #tpu.memory_space<vmem>>
        %dma_wait3A_421 = tpu.memref_squeeze %dma_wait3A_420 : memref<1x8x50xi32, #tpu.memory_space<vmem>> -> memref<8x50xi32, #tpu.memory_space<vmem>>
        %dma_wait3A_422 = arith.constant 0 : i32
        %dma_wait3A_423 = tpu.memref_slice %dma_wait3A_421[%dma_wait3A_410, %dma_wait3A_422] : memref<8x50xi32, #tpu.memory_space<vmem>> -> memref<1x50xi32, #tpu.memory_space<vmem>>
        %dma_wait3A_424 = tpu.memref_squeeze %dma_wait3A_423 : memref<1x50xi32, #tpu.memory_space<vmem>> -> memref<50xi32, #tpu.memory_space<vmem>>
        %dma_wait3A_425 = arith.constant 0 : i32
        %dma_wait3A_426 = arith.constant 0 : i32
        %dma_wait3A_427 = tpu.memref_slice %arg2[%dma_wait3A_425, %dma_wait3A_426] : memref<100000x128xf32, #tpu.memory_space<hbm>> -> memref<100000x128xf32, #tpu.memory_space<hbm>>
        tpu.wait_indirect_dma semaphore(%arg5 : memref<!tpu.dma_semaphore, #tpu.memory_space<semaphore_mem>>) src(%dma_wait3A_427 : memref<100000x128xf32, #tpu.memory_space<hbm>>) dst(%dma_wait3A_417 : memref<50x128xf32, #tpu.memory_space<vmem>>)
        %dma_wait3A_428 = arith.constant 4 : i32
        %dma_wait3A_429 = arith.constant 0 : i32
        %dma_wait3A_430 = arith.constant 0 : i32
        %dma_wait3A_431 = tpu.memref_slice %run_scoped3A_8[%rem3A_211, %dma_wait3A_429, %dma_wait3A_430] : memref<2x400x128xf32, #tpu.memory_space<vmem>> -> memref<1x400x128xf32, #tpu.memory_space<vmem>>
        %dma_wait3A_432 = tpu.memref_squeeze %dma_wait3A_431 : memref<1x400x128xf32, #tpu.memory_space<vmem>> -> memref<400x128xf32, #tpu.memory_space<vmem>>
        %dma_wait3A_433 = arith.constant 200 : i32
        %dma_wait3A_434 = arith.constant 0 : i32
        %dma_wait3A_435 = tpu.memref_slice %dma_wait3A_432[%dma_wait3A_433, %dma_wait3A_434] : memref<400x128xf32, #tpu.memory_space<vmem>> -> memref<50x128xf32, #tpu.memory_space<vmem>>
        %dma_wait3A_436 = arith.constant 0 : i32
        %dma_wait3A_437 = arith.constant 0 : i32
        %dma_wait3A_438 = tpu.memref_slice %run_scoped3A[%rem3A_209, %dma_wait3A_436, %dma_wait3A_437] : memref<2x8x50xi32, #tpu.memory_space<vmem>> -> memref<1x8x50xi32, #tpu.memory_space<vmem>>
        %dma_wait3A_439 = tpu.memref_squeeze %dma_wait3A_438 : memref<1x8x50xi32, #tpu.memory_space<vmem>> -> memref<8x50xi32, #tpu.memory_space<vmem>>
        %dma_wait3A_440 = arith.constant 0 : i32
        %dma_wait3A_441 = tpu.memref_slice %dma_wait3A_439[%dma_wait3A_428, %dma_wait3A_440] : memref<8x50xi32, #tpu.memory_space<vmem>> -> memref<1x50xi32, #tpu.memory_space<vmem>>
        %dma_wait3A_442 = tpu.memref_squeeze %dma_wait3A_441 : memref<1x50xi32, #tpu.memory_space<vmem>> -> memref<50xi32, #tpu.memory_space<vmem>>
        %dma_wait3A_443 = arith.constant 0 : i32
        %dma_wait3A_444 = arith.constant 0 : i32
        %dma_wait3A_445 = tpu.memref_slice %arg2[%dma_wait3A_443, %dma_wait3A_444] : memref<100000x128xf32, #tpu.memory_space<hbm>> -> memref<100000x128xf32, #tpu.memory_space<hbm>>
        tpu.wait_indirect_dma semaphore(%arg5 : memref<!tpu.dma_semaphore, #tpu.memory_space<semaphore_mem>>) src(%dma_wait3A_445 : memref<100000x128xf32, #tpu.memory_space<hbm>>) dst(%dma_wait3A_435 : memref<50x128xf32, #tpu.memory_space<vmem>>)
        %dma_wait3A_446 = arith.constant 5 : i32
        %dma_wait3A_447 = arith.constant 0 : i32
        %dma_wait3A_448 = arith.constant 0 : i32
        %dma_wait3A_449 = tpu.memref_slice %run_scoped3A_8[%rem3A_211, %dma_wait3A_447, %dma_wait3A_448] : memref<2x400x128xf32, #tpu.memory_space<vmem>> -> memref<1x400x128xf32, #tpu.memory_space<vmem>>
        %dma_wait3A_450 = tpu.memref_squeeze %dma_wait3A_449 : memref<1x400x128xf32, #tpu.memory_space<vmem>> -> memref<400x128xf32, #tpu.memory_space<vmem>>
        %dma_wait3A_451 = arith.constant 250 : i32
        %dma_wait3A_452 = arith.constant 0 : i32
        %dma_wait3A_453 = tpu.memref_slice %dma_wait3A_450[%dma_wait3A_451, %dma_wait3A_452] : memref<400x128xf32, #tpu.memory_space<vmem>> -> memref<50x128xf32, #tpu.memory_space<vmem>>
        %dma_wait3A_454 = arith.constant 0 : i32
        %dma_wait3A_455 = arith.constant 0 : i32
        %dma_wait3A_456 = tpu.memref_slice %run_scoped3A[%rem3A_209, %dma_wait3A_454, %dma_wait3A_455] : memref<2x8x50xi32, #tpu.memory_space<vmem>> -> memref<1x8x50xi32, #tpu.memory_space<vmem>>
        %dma_wait3A_457 = tpu.memref_squeeze %dma_wait3A_456 : memref<1x8x50xi32, #tpu.memory_space<vmem>> -> memref<8x50xi32, #tpu.memory_space<vmem>>
        %dma_wait3A_458 = arith.constant 0 : i32
        %dma_wait3A_459 = tpu.memref_slice %dma_wait3A_457[%dma_wait3A_446, %dma_wait3A_458] : memref<8x50xi32, #tpu.memory_space<vmem>> -> memref<1x50xi32, #tpu.memory_space<vmem>>
        %dma_wait3A_460 = tpu.memref_squeeze %dma_wait3A_459 : memref<1x50xi32, #tpu.memory_space<vmem>> -> memref<50xi32, #tpu.memory_space<vmem>>
        %dma_wait3A_461 = arith.constant 0 : i32
        %dma_wait3A_462 = arith.constant 0 : i32
        %dma_wait3A_463 = tpu.memref_slice %arg2[%dma_wait3A_461, %dma_wait3A_462] : memref<100000x128xf32, #tpu.memory_space<hbm>> -> memref<100000x128xf32, #tpu.memory_space<hbm>>
        tpu.wait_indirect_dma semaphore(%arg5 : memref<!tpu.dma_semaphore, #tpu.memory_space<semaphore_mem>>) src(%dma_wait3A_463 : memref<100000x128xf32, #tpu.memory_space<hbm>>) dst(%dma_wait3A_453 : memref<50x128xf32, #tpu.memory_space<vmem>>)
        %dma_wait3A_464 = arith.constant 6 : i32
        %dma_wait3A_465 = arith.constant 0 : i32
        %dma_wait3A_466 = arith.constant 0 : i32
        %dma_wait3A_467 = tpu.memref_slice %run_scoped3A_8[%rem3A_211, %dma_wait3A_465, %dma_wait3A_466] : memref<2x400x128xf32, #tpu.memory_space<vmem>> -> memref<1x400x128xf32, #tpu.memory_space<vmem>>
        %dma_wait3A_468 = tpu.memref_squeeze %dma_wait3A_467 : memref<1x400x128xf32, #tpu.memory_space<vmem>> -> memref<400x128xf32, #tpu.memory_space<vmem>>
        %dma_wait3A_469 = arith.constant 300 : i32
        %dma_wait3A_470 = arith.constant 0 : i32
        %dma_wait3A_471 = tpu.memref_slice %dma_wait3A_468[%dma_wait3A_469, %dma_wait3A_470] : memref<400x128xf32, #tpu.memory_space<vmem>> -> memref<50x128xf32, #tpu.memory_space<vmem>>
        %dma_wait3A_472 = arith.constant 0 : i32
        %dma_wait3A_473 = arith.constant 0 : i32
        %dma_wait3A_474 = tpu.memref_slice %run_scoped3A[%rem3A_209, %dma_wait3A_472, %dma_wait3A_473] : memref<2x8x50xi32, #tpu.memory_space<vmem>> -> memref<1x8x50xi32, #tpu.memory_space<vmem>>
        %dma_wait3A_475 = tpu.memref_squeeze %dma_wait3A_474 : memref<1x8x50xi32, #tpu.memory_space<vmem>> -> memref<8x50xi32, #tpu.memory_space<vmem>>
        %dma_wait3A_476 = arith.constant 0 : i32
        %dma_wait3A_477 = tpu.memref_slice %dma_wait3A_475[%dma_wait3A_464, %dma_wait3A_476] : memref<8x50xi32, #tpu.memory_space<vmem>> -> memref<1x50xi32, #tpu.memory_space<vmem>>
        %dma_wait3A_478 = tpu.memref_squeeze %dma_wait3A_477 : memref<1x50xi32, #tpu.memory_space<vmem>> -> memref<50xi32, #tpu.memory_space<vmem>>
        %dma_wait3A_479 = arith.constant 0 : i32
        %dma_wait3A_480 = arith.constant 0 : i32
        %dma_wait3A_481 = tpu.memref_slice %arg2[%dma_wait3A_479, %dma_wait3A_480] : memref<100000x128xf32, #tpu.memory_space<hbm>> -> memref<100000x128xf32, #tpu.memory_space<hbm>>
        tpu.wait_indirect_dma semaphore(%arg5 : memref<!tpu.dma_semaphore, #tpu.memory_space<semaphore_mem>>) src(%dma_wait3A_481 : memref<100000x128xf32, #tpu.memory_space<hbm>>) dst(%dma_wait3A_471 : memref<50x128xf32, #tpu.memory_space<vmem>>)
        %dma_wait3A_482 = arith.constant 7 : i32
        %dma_wait3A_483 = arith.constant 0 : i32
        %dma_wait3A_484 = arith.constant 0 : i32
        %dma_wait3A_485 = tpu.memref_slice %run_scoped3A_8[%rem3A_211, %dma_wait3A_483, %dma_wait3A_484] : memref<2x400x128xf32, #tpu.memory_space<vmem>> -> memref<1x400x128xf32, #tpu.memory_space<vmem>>
        %dma_wait3A_486 = tpu.memref_squeeze %dma_wait3A_485 : memref<1x400x128xf32, #tpu.memory_space<vmem>> -> memref<400x128xf32, #tpu.memory_space<vmem>>
        %dma_wait3A_487 = arith.constant 350 : i32
        %dma_wait3A_488 = arith.constant 0 : i32
        %dma_wait3A_489 = tpu.memref_slice %dma_wait3A_486[%dma_wait3A_487, %dma_wait3A_488] : memref<400x128xf32, #tpu.memory_space<vmem>> -> memref<50x128xf32, #tpu.memory_space<vmem>>
        %dma_wait3A_490 = arith.constant 0 : i32
        %dma_wait3A_491 = arith.constant 0 : i32
        %dma_wait3A_492 = tpu.memref_slice %run_scoped3A[%rem3A_209, %dma_wait3A_490, %dma_wait3A_491] : memref<2x8x50xi32, #tpu.memory_space<vmem>> -> memref<1x8x50xi32, #tpu.memory_space<vmem>>
        %dma_wait3A_493 = tpu.memref_squeeze %dma_wait3A_492 : memref<1x8x50xi32, #tpu.memory_space<vmem>> -> memref<8x50xi32, #tpu.memory_space<vmem>>
        %dma_wait3A_494 = arith.constant 0 : i32
        %dma_wait3A_495 = tpu.memref_slice %dma_wait3A_493[%dma_wait3A_482, %dma_wait3A_494] : memref<8x50xi32, #tpu.memory_space<vmem>> -> memref<1x50xi32, #tpu.memory_space<vmem>>
        %dma_wait3A_496 = tpu.memref_squeeze %dma_wait3A_495 : memref<1x50xi32, #tpu.memory_space<vmem>> -> memref<50xi32, #tpu.memory_space<vmem>>
        %dma_wait3A_497 = arith.constant 0 : i32
        %dma_wait3A_498 = arith.constant 0 : i32
        %dma_wait3A_499 = tpu.memref_slice %arg2[%dma_wait3A_497, %dma_wait3A_498] : memref<100000x128xf32, #tpu.memory_space<hbm>> -> memref<100000x128xf32, #tpu.memory_space<hbm>>
        tpu.wait_indirect_dma semaphore(%arg5 : memref<!tpu.dma_semaphore, #tpu.memory_space<semaphore_mem>>) src(%dma_wait3A_499 : memref<100000x128xf32, #tpu.memory_space<hbm>>) dst(%dma_wait3A_489 : memref<50x128xf32, #tpu.memory_space<vmem>>)
        "tpu.trace_stop"() : () -> ()
        %add3A_500 = arith.constant 0 : i32
        %add3A_501 = arith.addi %add3A_500, %add3A_133 : i32
        %add3A_502 = arith.constant 0 : i32
        %add3A_503 = arith.addi %add3A_502, %add3A_151 : i32
        %ne3A_504 = arith.cmpi ne, %add3A_501, %add3A_503 : i32
        %or3A_505 = arith.constant false
        %or3A_506 = arith.ori %or3A_505, %ne3A_504 : i1
        %or3A_507 = arith.constant false
        %or3A_508 = arith.ori %or3A_506, %or3A_507 : i1
        %or3A_509 = arith.ori %or3A_508, %eq3A_132 : i1
        %convert_element_type3A_510 = arith.extui %or3A_509 : i1 to i32
        %cond3A_511 = arith.constant 0 : i32
        %cond3A_512 = arith.cmpi ne, %convert_element_type3A_510, %cond3A_511 : i32
        scf.if %cond3A_512 {
        } else {
        }
        %and3A_513 = arith.constant false
        %and3A_514 = arith.andi %or3A_509, %and3A_513 : i1
        %ne3A_515 = arith.cmpi ne, %add3A_133, %add3A_151 : i32
        %or3A_516 = arith.constant false
        %or3A_517 = arith.ori %or3A_516, %ne3A_515 : i1
        %or3A_518 = arith.constant false
        %or3A_519 = arith.ori %or3A_517, %or3A_518 : i1
        %or3A_520 = arith.ori %or3A_519, %eq3A_132 : i1
        %convert_element_type3A_521 = arith.extui %or3A_520 : i1 to i32
        %cond3A_522 = arith.constant 0 : i32
        %cond3A_523 = arith.cmpi ne, %convert_element_type3A_521, %cond3A_522 : i32
        scf.if %cond3A_523 {
          "tpu.trace_start"() <{level = 10 : i32, message = "ep_copy_out"}> : () -> ()
          %rem3A_583 = arith.constant 2 : i32
          %rem3A_584 = arith.remui %scan3A_126, %rem3A_583 : i32
          %mul3A_585 = arith.constant 400 : i32
          %mul3A_586 = arith.muli %mul3A_585, %add3A_133 : i32
          %dma_start3A_587 = arith.constant 0 : i32
          %dma_start3A_588 = arith.constant 0 : i32
          %dma_start3A_589 = tpu.memref_slice %run_scoped3A_8[%rem3A_584, %dma_start3A_587, %dma_start3A_588] : memref<2x400x128xf32, #tpu.memory_space<vmem>> -> memref<1x400x128xf32, #tpu.memory_space<vmem>>
          %dma_start3A_590 = tpu.memref_squeeze %dma_start3A_589 : memref<1x400x128xf32, #tpu.memory_space<vmem>> -> memref<400x128xf32, #tpu.memory_space<vmem>>
          %dma_start3A_591 = arith.constant 0 : i32
          %dma_start3A_592 = tpu.memref_slice %arg4[%mul3A_586, %dma_start3A_591] : memref<204800x128xf32, #tpu.memory_space<hbm>> -> memref<400x128xf32, #tpu.memory_space<hbm>>
          %dma_start3A_593 = tpu.memref_slice %run_scoped3A_9[%rem3A_584] : memref<2x!tpu.dma_semaphore, #tpu.memory_space<semaphore_mem>> -> memref<1x!tpu.dma_semaphore, #tpu.memory_space<semaphore_mem>>
          %dma_start3A_594 = tpu.memref_squeeze %dma_start3A_593 : memref<1x!tpu.dma_semaphore, #tpu.memory_space<semaphore_mem>> -> memref<!tpu.dma_semaphore, #tpu.memory_space<semaphore_mem>>
          %dma_start3A_595 = arith.constant 0 : i32
          %dma_start3A_596 = tpu.memref_slice %arg4[%mul3A_586, %dma_start3A_595] : memref<204800x128xf32, #tpu.memory_space<hbm>> -> memref<400x128xf32, #tpu.memory_space<hbm>>
          %dma_start3A_597 = arith.constant 0 : i32
          %dma_start3A_598 = arith.constant 0 : i32
          %dma_start3A_599 = tpu.memref_slice %run_scoped3A_8[%rem3A_584, %dma_start3A_597, %dma_start3A_598] : memref<2x400x128xf32, #tpu.memory_space<vmem>> -> memref<1x400x128xf32, #tpu.memory_space<vmem>>
          %dma_start3A_600 = tpu.memref_squeeze %dma_start3A_599 : memref<1x400x128xf32, #tpu.memory_space<vmem>> -> memref<400x128xf32, #tpu.memory_space<vmem>>
          tpu.enqueue_dma source(%dma_start3A_600 : memref<400x128xf32, #tpu.memory_space<vmem>>) target(%dma_start3A_596 : memref<400x128xf32, #tpu.memory_space<hbm>>) target_semaphore(%dma_start3A_594 : memref<!tpu.dma_semaphore, #tpu.memory_space<semaphore_mem>>)
          "tpu.trace_stop"() : () -> ()
        } else {
        }
        %and3A_524 = arith.constant true
        %and3A_525 = arith.andi %or3A_520, %and3A_524 : i1
        %add3A_526 = arith.constant 1 : i32
        %add3A_527 = arith.addi %scan3A_126, %add3A_526 : i32
        %select_n3A_528 = arith.select %and3A_525, %add3A_527, %scan3A_126 : i32
        %add3A_529 = arith.constant 0 : i32
        %add3A_530 = arith.addi %add3A_529, %add3A_133 : i32
        %add3A_531 = arith.constant 0 : i32
        %add3A_532 = arith.addi %add3A_531, %add3A_142 : i32
        %ne3A_533 = arith.cmpi ne, %add3A_530, %add3A_532 : i32
        %or3A_534 = arith.constant false
        %or3A_535 = arith.ori %or3A_534, %ne3A_533 : i1
        %or3A_536 = arith.constant false
        %or3A_537 = arith.ori %or3A_535, %or3A_536 : i1
        %not3A_538 = arith.constant true
        %not3A_539 = arith.xori %eq3A_130, %not3A_538 : i1
        %and3A_540 = arith.andi %or3A_537, %not3A_539 : i1
        %convert_element_type3A_541 = arith.extui %and3A_540 : i1 to i32
        %cond3A_542 = arith.constant 0 : i32
        %cond3A_543 = arith.cmpi ne, %convert_element_type3A_541, %cond3A_542 : i32
        scf.if %cond3A_543 {
        } else {
        }
        %and3A_544 = arith.constant false
        %and3A_545 = arith.andi %and3A_540, %and3A_544 : i1
        %ne3A_546 = arith.cmpi ne, %add3A_133, %add3A_142 : i32
        %or3A_547 = arith.constant false
        %or3A_548 = arith.ori %or3A_547, %ne3A_546 : i1
        %or3A_549 = arith.constant false
        %or3A_550 = arith.ori %or3A_548, %or3A_549 : i1
        %not3A_551 = arith.constant true
        %not3A_552 = arith.xori %eq3A_130, %not3A_551 : i1
        %and3A_553 = arith.andi %or3A_550, %not3A_552 : i1
        %convert_element_type3A_554 = arith.extui %and3A_553 : i1 to i32
        %cond3A_555 = arith.constant 0 : i32
        %cond3A_556 = arith.cmpi ne, %convert_element_type3A_554, %cond3A_555 : i32
        scf.if %cond3A_556 {
          "tpu.trace_start"() <{level = 10 : i32, message = "ep_wait_out"}> : () -> ()
          %rem3A_583 = arith.constant 2 : i32
          %rem3A_584 = arith.remui %scan3A_127, %rem3A_583 : i32
          %mul3A_585 = arith.constant 400 : i32
          %mul3A_586 = arith.muli %mul3A_585, %add3A_142 : i32
          %dma_wait3A_587 = arith.constant 0 : i32
          %dma_wait3A_588 = arith.constant 0 : i32
          %dma_wait3A_589 = tpu.memref_slice %run_scoped3A_8[%rem3A_584, %dma_wait3A_587, %dma_wait3A_588] : memref<2x400x128xf32, #tpu.memory_space<vmem>> -> memref<1x400x128xf32, #tpu.memory_space<vmem>>
          %dma_wait3A_590 = tpu.memref_squeeze %dma_wait3A_589 : memref<1x400x128xf32, #tpu.memory_space<vmem>> -> memref<400x128xf32, #tpu.memory_space<vmem>>
          %dma_wait3A_591 = arith.constant 0 : i32
          %dma_wait3A_592 = tpu.memref_slice %arg4[%mul3A_586, %dma_wait3A_591] : memref<204800x128xf32, #tpu.memory_space<hbm>> -> memref<400x128xf32, #tpu.memory_space<hbm>>
          %dma_wait3A_593 = tpu.memref_slice %run_scoped3A_9[%rem3A_584] : memref<2x!tpu.dma_semaphore, #tpu.memory_space<semaphore_mem>> -> memref<1x!tpu.dma_semaphore, #tpu.memory_space<semaphore_mem>>
          %dma_wait3A_594 = tpu.memref_squeeze %dma_wait3A_593 : memref<1x!tpu.dma_semaphore, #tpu.memory_space<semaphore_mem>> -> memref<!tpu.dma_semaphore, #tpu.memory_space<semaphore_mem>>
          %dma_wait3A_595 = arith.constant 0 : i32
          %dma_wait3A_596 = tpu.memref_slice %arg4[%mul3A_586, %dma_wait3A_595] : memref<204800x128xf32, #tpu.memory_space<hbm>> -> memref<400x128xf32, #tpu.memory_space<hbm>>
          %dma_wait3A_597 = arith.constant 0 : i32
          %dma_wait3A_598 = arith.constant 0 : i32
          %dma_wait3A_599 = tpu.memref_slice %run_scoped3A_8[%rem3A_584, %dma_wait3A_597, %dma_wait3A_598] : memref<2x400x128xf32, #tpu.memory_space<vmem>> -> memref<1x400x128xf32, #tpu.memory_space<vmem>>
          %dma_wait3A_600 = tpu.memref_squeeze %dma_wait3A_599 : memref<1x400x128xf32, #tpu.memory_space<vmem>> -> memref<400x128xf32, #tpu.memory_space<vmem>>
          tpu.wait_dma2 semaphore(%dma_wait3A_594 : memref<!tpu.dma_semaphore, #tpu.memory_space<semaphore_mem>>) src(%dma_wait3A_600 : memref<400x128xf32, #tpu.memory_space<vmem>>) dst(%dma_wait3A_596 : memref<400x128xf32, #tpu.memory_space<hbm>>)
          "tpu.trace_stop"() : () -> ()
        } else {
        }
        %and3A_557 = arith.constant true
        %and3A_558 = arith.andi %and3A_553, %and3A_557 : i1
        %add3A_559 = arith.constant 1 : i32
        %add3A_560 = arith.addi %scan3A_127, %add3A_559 : i32
        %select_n3A_561 = arith.select %and3A_558, %add3A_560, %scan3A_127 : i32
        %add3A_562 = arith.constant 0 : i32
        %add3A_563 = arith.addi %add3A_562, %add3A_133 : i32
        %add3A_564 = arith.constant 0 : i32
        %add3A_565 = arith.addi %add3A_564, %add3A_151 : i32
        %ne3A_566 = arith.cmpi ne, %add3A_563, %add3A_565 : i32
        %or3A_567 = arith.constant false
        %or3A_568 = arith.ori %or3A_567, %ne3A_566 : i1
        %or3A_569 = arith.constant false
        %or3A_570 = arith.ori %or3A_568, %or3A_569 : i1
        %or3A_571 = arith.ori %or3A_570, %eq3A_132 : i1
        %add3A_572 = arith.constant 1 : i32
        %add3A_573 = arith.addi %scan3A_125, %add3A_572 : i32
        %select_n3A_574 = arith.select %or3A_571, %add3A_573, %scan3A_125 : i32
        %add3A_575 = arith.constant 1 : i32
        %add3A_576 = arith.addi %scan3A_128, %add3A_575 : i32
        %select_n3A_577 = arith.constant true
        %select_n3A_578 = arith.select %select_n3A_577, %add3A_576, %scan3A_128 : i32
        %eq3A_579 = arith.constant 16 : i32
        %eq3A_580 = arith.cmpi eq, %select_n3A_578, %eq3A_579 : i32
        %select_n3A_581 = arith.constant 0 : i32
        %select_n3A_582 = arith.select %eq3A_580, %select_n3A_581, %select_n3A_578 : i32
        scf.yield %select_n3A_175, %select_n3A_574, %select_n3A_528, %select_n3A_561, %select_n3A_582 : i32, i32, i32, i32, i32
      }
      %scan3A_70 = arith.constant 16 : i32
      %sub3A = arith.constant 1 : i32
      %sub3A_71 = arith.subi %scan3A_69#4, %sub3A : i32
      %select_n3A_72 = arith.constant true
      %select_n3A_73 = arith.select %select_n3A_72, %sub3A_71, %scan3A_69#4 : i32
      %eq3A_74 = arith.constant -1 : i32
      %eq3A_75 = arith.cmpi eq, %select_n3A_73, %eq3A_74 : i32
      %select_n3A_76 = arith.constant 15 : i32
      %select_n3A_77 = arith.select %eq3A_75, %select_n3A_76, %select_n3A_73 : i32
      %add3A_78 = arith.addi %select_n3A_77, %mul3A_6 : i32
      %sub3A_79 = arith.constant 1 : i32
      %sub3A_80 = arith.subi %select_n3A_77, %sub3A_79 : i32
      %select_n3A_81 = arith.constant true
      %select_n3A_82 = arith.select %select_n3A_81, %sub3A_80, %select_n3A_77 : i32
      %eq3A_83 = arith.constant -1 : i32
      %eq3A_84 = arith.cmpi eq, %select_n3A_82, %eq3A_83 : i32
      %select_n3A_85 = arith.constant 15 : i32
      %select_n3A_86 = arith.select %eq3A_84, %select_n3A_85, %select_n3A_82 : i32
      %add3A_87 = arith.addi %select_n3A_86, %mul3A_6 : i32
      %add3A_88 = arith.constant 1 : i32
      %add3A_89 = arith.addi %select_n3A_77, %add3A_88 : i32
      %select_n3A_90 = arith.constant true
      %select_n3A_91 = arith.select %select_n3A_90, %add3A_89, %select_n3A_77 : i32
      %eq3A_92 = arith.constant 16 : i32
      %eq3A_93 = arith.cmpi eq, %select_n3A_91, %eq3A_92 : i32
      %select_n3A_94 = arith.constant 0 : i32
      %select_n3A_95 = arith.select %eq3A_93, %select_n3A_94, %select_n3A_91 : i32
      %add3A_96 = arith.addi %select_n3A_95, %mul3A_6 : i32
      %add3A_97 = arith.constant 1 : i32
      %add3A_98 = arith.addi %select_n3A_95, %add3A_97 : i32
      %select_n3A_99 = arith.constant true
      %select_n3A_100 = arith.select %select_n3A_99, %add3A_98, %select_n3A_95 : i32
      %eq3A_101 = arith.constant 16 : i32
      %eq3A_102 = arith.cmpi eq, %select_n3A_100, %eq3A_101 : i32
      %select_n3A_103 = arith.constant 0 : i32
      %select_n3A_104 = arith.select %eq3A_102, %select_n3A_103, %select_n3A_100 : i32
      %add3A_105 = arith.addi %select_n3A_104, %mul3A_6 : i32
      "tpu.trace_start"() <{level = 10 : i32, message = "ep_finalize"}> : () -> ()
      %rem3A_106 = arith.constant 2 : i32
      %rem3A_107 = arith.remui %scan3A_69#3, %rem3A_106 : i32
      %mul3A_108 = arith.constant 400 : i32
      %mul3A_109 = arith.muli %mul3A_108, %add3A_78 : i32
      %dma_wait3A = arith.constant 0 : i32
      %dma_wait3A_110 = arith.constant 0 : i32
      %dma_wait3A_111 = tpu.memref_slice %run_scoped3A_8[%rem3A_107, %dma_wait3A, %dma_wait3A_110] : memref<2x400x128xf32, #tpu.memory_space<vmem>> -> memref<1x400x128xf32, #tpu.memory_space<vmem>>
      %dma_wait3A_112 = tpu.memref_squeeze %dma_wait3A_111 : memref<1x400x128xf32, #tpu.memory_space<vmem>> -> memref<400x128xf32, #tpu.memory_space<vmem>>
      %dma_wait3A_113 = arith.constant 0 : i32
      %dma_wait3A_114 = tpu.memref_slice %arg4[%mul3A_109, %dma_wait3A_113] : memref<204800x128xf32, #tpu.memory_space<hbm>> -> memref<400x128xf32, #tpu.memory_space<hbm>>
      %dma_wait3A_115 = tpu.memref_slice %run_scoped3A_9[%rem3A_107] : memref<2x!tpu.dma_semaphore, #tpu.memory_space<semaphore_mem>> -> memref<1x!tpu.dma_semaphore, #tpu.memory_space<semaphore_mem>>
      %dma_wait3A_116 = tpu.memref_squeeze %dma_wait3A_115 : memref<1x!tpu.dma_semaphore, #tpu.memory_space<semaphore_mem>> -> memref<!tpu.dma_semaphore, #tpu.memory_space<semaphore_mem>>
      %dma_wait3A_117 = arith.constant 0 : i32
      %dma_wait3A_118 = tpu.memref_slice %arg4[%mul3A_109, %dma_wait3A_117] : memref<204800x128xf32, #tpu.memory_space<hbm>> -> memref<400x128xf32, #tpu.memory_space<hbm>>
      %dma_wait3A_119 = arith.constant 0 : i32
      %dma_wait3A_120 = arith.constant 0 : i32
      %dma_wait3A_121 = tpu.memref_slice %run_scoped3A_8[%rem3A_107, %dma_wait3A_119, %dma_wait3A_120] : memref<2x400x128xf32, #tpu.memory_space<vmem>> -> memref<1x400x128xf32, #tpu.memory_space<vmem>>
      %dma_wait3A_122 = tpu.memref_squeeze %dma_wait3A_121 : memref<1x400x128xf32, #tpu.memory_space<vmem>> -> memref<400x128xf32, #tpu.memory_space<vmem>>
      tpu.wait_dma2 semaphore(%dma_wait3A_116 : memref<!tpu.dma_semaphore, #tpu.memory_space<semaphore_mem>>) src(%dma_wait3A_122 : memref<400x128xf32, #tpu.memory_space<vmem>>) dst(%dma_wait3A_118 : memref<400x128xf32, #tpu.memory_space<hbm>>)
      "tpu.trace_stop"() : () -> ()
      tpu.yield
    }) : () -> ()
    return
  }
}

module attributes {stable_mosaic.version = 14 : i64} {
  func.func @body(%arg0: i32, %arg1: memref<1600x128xf32, #tpu.memory_space<vmem>>, %arg2: memref<32x50x128xf32, #tpu.memory_space<vmem>>) attributes {dimension_semantics = [#tpu.dimension_semantics<arbitrary>], iteration_bounds = array<i64: 128>, scalar_prefetch = 0 : i64, scratch_operands = 0 : i64, tpu.core_type = #tpu.core_type<tc>, window_params = [{transform_indices = @transform_0, window_bounds = array<i64: 1600, 128>}, {transform_indices = @transform_1, window_bounds = array<i64: 32, 50, 128>}]} {
    %get3A = arith.constant 0 : index
    %get3A_0 = arith.constant 0 : index
    %get3A_1 = vector.load %arg1[%get3A, %get3A_0] : memref<1600x128xf32, #tpu.memory_space<vmem>>, vector<50x128xf32>
    %swap3A = arith.constant 0 : index
    %swap3A_2 = arith.constant 0 : index
    %swap3A_3 = arith.constant 0 : index
    %swap3A_4 = vector.load %arg2[%swap3A, %swap3A_2, %swap3A_3] : memref<32x50x128xf32, #tpu.memory_space<vmem>>, vector<1x50x128xf32>
    %swap3A_5 = vector.shape_cast %swap3A_4 : vector<1x50x128xf32> to vector<50x128xf32>
    %swap3A_6 = vector.shape_cast %get3A_1 : vector<50x128xf32> to vector<1x50x128xf32>
    tpu.vector_store %arg2[%swap3A, %swap3A_2, %swap3A_3], %swap3A_6 {strides = array<i32>} : memref<32x50x128xf32, #tpu.memory_space<vmem>>, vector<1x50x128xf32>,
    %get3A_7 = arith.constant 50 : index
    %get3A_8 = arith.constant 0 : index
    %get3A_9 = vector.load %arg1[%get3A_7, %get3A_8] : memref<1600x128xf32, #tpu.memory_space<vmem>>, vector<50x128xf32>
    %swap3A_10 = arith.constant 1 : index
    %swap3A_11 = arith.constant 0 : index
    %swap3A_12 = arith.constant 0 : index
    %swap3A_13 = vector.load %arg2[%swap3A_10, %swap3A_11, %swap3A_12] : memref<32x50x128xf32, #tpu.memory_space<vmem>>, vector<1x50x128xf32>
    %swap3A_14 = vector.shape_cast %swap3A_13 : vector<1x50x128xf32> to vector<50x128xf32>
    %swap3A_15 = vector.shape_cast %get3A_9 : vector<50x128xf32> to vector<1x50x128xf32>
    tpu.vector_store %arg2[%swap3A_10, %swap3A_11, %swap3A_12], %swap3A_15 {strides = array<i32>} : memref<32x50x128xf32, #tpu.memory_space<vmem>>, vector<1x50x128xf32>,
    %get3A_16 = arith.constant 100 : index
    %get3A_17 = arith.constant 0 : index
    %get3A_18 = vector.load %arg1[%get3A_16, %get3A_17] : memref<1600x128xf32, #tpu.memory_space<vmem>>, vector<50x128xf32>
    %swap3A_19 = arith.constant 2 : index
    %swap3A_20 = arith.constant 0 : index
    %swap3A_21 = arith.constant 0 : index
    %swap3A_22 = vector.load %arg2[%swap3A_19, %swap3A_20, %swap3A_21] : memref<32x50x128xf32, #tpu.memory_space<vmem>>, vector<1x50x128xf32>
    %swap3A_23 = vector.shape_cast %swap3A_22 : vector<1x50x128xf32> to vector<50x128xf32>
    %swap3A_24 = vector.shape_cast %get3A_18 : vector<50x128xf32> to vector<1x50x128xf32>
    tpu.vector_store %arg2[%swap3A_19, %swap3A_20, %swap3A_21], %swap3A_24 {strides = array<i32>} : memref<32x50x128xf32, #tpu.memory_space<vmem>>, vector<1x50x128xf32>,
    %get3A_25 = arith.constant 150 : index
    %get3A_26 = arith.constant 0 : index
    %get3A_27 = vector.load %arg1[%get3A_25, %get3A_26] : memref<1600x128xf32, #tpu.memory_space<vmem>>, vector<50x128xf32>
    %swap3A_28 = arith.constant 3 : index
    %swap3A_29 = arith.constant 0 : index
    %swap3A_30 = arith.constant 0 : index
    %swap3A_31 = vector.load %arg2[%swap3A_28, %swap3A_29, %swap3A_30] : memref<32x50x128xf32, #tpu.memory_space<vmem>>, vector<1x50x128xf32>
    %swap3A_32 = vector.shape_cast %swap3A_31 : vector<1x50x128xf32> to vector<50x128xf32>
    %swap3A_33 = vector.shape_cast %get3A_27 : vector<50x128xf32> to vector<1x50x128xf32>
    tpu.vector_store %arg2[%swap3A_28, %swap3A_29, %swap3A_30], %swap3A_33 {strides = array<i32>} : memref<32x50x128xf32, #tpu.memory_space<vmem>>, vector<1x50x128xf32>,
    %get3A_34 = arith.constant 200 : index
    %get3A_35 = arith.constant 0 : index
    %get3A_36 = vector.load %arg1[%get3A_34, %get3A_35] : memref<1600x128xf32, #tpu.memory_space<vmem>>, vector<50x128xf32>
    %swap3A_37 = arith.constant 4 : index
    %swap3A_38 = arith.constant 0 : index
    %swap3A_39 = arith.constant 0 : index
    %swap3A_40 = vector.load %arg2[%swap3A_37, %swap3A_38, %swap3A_39] : memref<32x50x128xf32, #tpu.memory_space<vmem>>, vector<1x50x128xf32>
    %swap3A_41 = vector.shape_cast %swap3A_40 : vector<1x50x128xf32> to vector<50x128xf32>
    %swap3A_42 = vector.shape_cast %get3A_36 : vector<50x128xf32> to vector<1x50x128xf32>
    tpu.vector_store %arg2[%swap3A_37, %swap3A_38, %swap3A_39], %swap3A_42 {strides = array<i32>} : memref<32x50x128xf32, #tpu.memory_space<vmem>>, vector<1x50x128xf32>,
    %get3A_43 = arith.constant 250 : index
    %get3A_44 = arith.constant 0 : index
    %get3A_45 = vector.load %arg1[%get3A_43, %get3A_44] : memref<1600x128xf32, #tpu.memory_space<vmem>>, vector<50x128xf32>
    %swap3A_46 = arith.constant 5 : index
    %swap3A_47 = arith.constant 0 : index
    %swap3A_48 = arith.constant 0 : index
    %swap3A_49 = vector.load %arg2[%swap3A_46, %swap3A_47, %swap3A_48] : memref<32x50x128xf32, #tpu.memory_space<vmem>>, vector<1x50x128xf32>
    %swap3A_50 = vector.shape_cast %swap3A_49 : vector<1x50x128xf32> to vector<50x128xf32>
    %swap3A_51 = vector.shape_cast %get3A_45 : vector<50x128xf32> to vector<1x50x128xf32>
    tpu.vector_store %arg2[%swap3A_46, %swap3A_47, %swap3A_48], %swap3A_51 {strides = array<i32>} : memref<32x50x128xf32, #tpu.memory_space<vmem>>, vector<1x50x128xf32>,
    %get3A_52 = arith.constant 300 : index
    %get3A_53 = arith.constant 0 : index
    %get3A_54 = vector.load %arg1[%get3A_52, %get3A_53] : memref<1600x128xf32, #tpu.memory_space<vmem>>, vector<50x128xf32>
    %swap3A_55 = arith.constant 6 : index
    %swap3A_56 = arith.constant 0 : index
    %swap3A_57 = arith.constant 0 : index
    %swap3A_58 = vector.load %arg2[%swap3A_55, %swap3A_56, %swap3A_57] : memref<32x50x128xf32, #tpu.memory_space<vmem>>, vector<1x50x128xf32>
    %swap3A_59 = vector.shape_cast %swap3A_58 : vector<1x50x128xf32> to vector<50x128xf32>
    %swap3A_60 = vector.shape_cast %get3A_54 : vector<50x128xf32> to vector<1x50x128xf32>
    tpu.vector_store %arg2[%swap3A_55, %swap3A_56, %swap3A_57], %swap3A_60 {strides = array<i32>} : memref<32x50x128xf32, #tpu.memory_space<vmem>>, vector<1x50x128xf32>,
    %get3A_61 = arith.constant 350 : index
    %get3A_62 = arith.constant 0 : index
    %get3A_63 = vector.load %arg1[%get3A_61, %get3A_62] : memref<1600x128xf32, #tpu.memory_space<vmem>>, vector<50x128xf32>
    %swap3A_64 = arith.constant 7 : index
    %swap3A_65 = arith.constant 0 : index
    %swap3A_66 = arith.constant 0 : index
    %swap3A_67 = vector.load %arg2[%swap3A_64, %swap3A_65, %swap3A_66] : memref<32x50x128xf32, #tpu.memory_space<vmem>>, vector<1x50x128xf32>
    %swap3A_68 = vector.shape_cast %swap3A_67 : vector<1x50x128xf32> to vector<50x128xf32>
    %swap3A_69 = vector.shape_cast %get3A_63 : vector<50x128xf32> to vector<1x50x128xf32>
    tpu.vector_store %arg2[%swap3A_64, %swap3A_65, %swap3A_66], %swap3A_69 {strides = array<i32>} : memref<32x50x128xf32, #tpu.memory_space<vmem>>, vector<1x50x128xf32>,
    %get3A_70 = arith.constant 400 : index
    %get3A_71 = arith.constant 0 : index
    %get3A_72 = vector.load %arg1[%get3A_70, %get3A_71] : memref<1600x128xf32, #tpu.memory_space<vmem>>, vector<50x128xf32>
    %swap3A_73 = arith.constant 8 : index
    %swap3A_74 = arith.constant 0 : index
    %swap3A_75 = arith.constant 0 : index
    %swap3A_76 = vector.load %arg2[%swap3A_73, %swap3A_74, %swap3A_75] : memref<32x50x128xf32, #tpu.memory_space<vmem>>, vector<1x50x128xf32>
    %swap3A_77 = vector.shape_cast %swap3A_76 : vector<1x50x128xf32> to vector<50x128xf32>
    %swap3A_78 = vector.shape_cast %get3A_72 : vector<50x128xf32> to vector<1x50x128xf32>
    tpu.vector_store %arg2[%swap3A_73, %swap3A_74, %swap3A_75], %swap3A_78 {strides = array<i32>} : memref<32x50x128xf32, #tpu.memory_space<vmem>>, vector<1x50x128xf32>,
    %get3A_79 = arith.constant 450 : index
    %get3A_80 = arith.constant 0 : index
    %get3A_81 = vector.load %arg1[%get3A_79, %get3A_80] : memref<1600x128xf32, #tpu.memory_space<vmem>>, vector<50x128xf32>
    %swap3A_82 = arith.constant 9 : index
    %swap3A_83 = arith.constant 0 : index
    %swap3A_84 = arith.constant 0 : index
    %swap3A_85 = vector.load %arg2[%swap3A_82, %swap3A_83, %swap3A_84] : memref<32x50x128xf32, #tpu.memory_space<vmem>>, vector<1x50x128xf32>
    %swap3A_86 = vector.shape_cast %swap3A_85 : vector<1x50x128xf32> to vector<50x128xf32>
    %swap3A_87 = vector.shape_cast %get3A_81 : vector<50x128xf32> to vector<1x50x128xf32>
    tpu.vector_store %arg2[%swap3A_82, %swap3A_83, %swap3A_84], %swap3A_87 {strides = array<i32>} : memref<32x50x128xf32, #tpu.memory_space<vmem>>, vector<1x50x128xf32>,
    %get3A_88 = arith.constant 500 : index
    %get3A_89 = arith.constant 0 : index
    %get3A_90 = vector.load %arg1[%get3A_88, %get3A_89] : memref<1600x128xf32, #tpu.memory_space<vmem>>, vector<50x128xf32>
    %swap3A_91 = arith.constant 10 : index
    %swap3A_92 = arith.constant 0 : index
    %swap3A_93 = arith.constant 0 : index
    %swap3A_94 = vector.load %arg2[%swap3A_91, %swap3A_92, %swap3A_93] : memref<32x50x128xf32, #tpu.memory_space<vmem>>, vector<1x50x128xf32>
    %swap3A_95 = vector.shape_cast %swap3A_94 : vector<1x50x128xf32> to vector<50x128xf32>
    %swap3A_96 = vector.shape_cast %get3A_90 : vector<50x128xf32> to vector<1x50x128xf32>
    tpu.vector_store %arg2[%swap3A_91, %swap3A_92, %swap3A_93], %swap3A_96 {strides = array<i32>} : memref<32x50x128xf32, #tpu.memory_space<vmem>>, vector<1x50x128xf32>,
    %get3A_97 = arith.constant 550 : index
    %get3A_98 = arith.constant 0 : index
    %get3A_99 = vector.load %arg1[%get3A_97, %get3A_98] : memref<1600x128xf32, #tpu.memory_space<vmem>>, vector<50x128xf32>
    %swap3A_100 = arith.constant 11 : index
    %swap3A_101 = arith.constant 0 : index
    %swap3A_102 = arith.constant 0 : index
    %swap3A_103 = vector.load %arg2[%swap3A_100, %swap3A_101, %swap3A_102] : memref<32x50x128xf32, #tpu.memory_space<vmem>>, vector<1x50x128xf32>
    %swap3A_104 = vector.shape_cast %swap3A_103 : vector<1x50x128xf32> to vector<50x128xf32>
    %swap3A_105 = vector.shape_cast %get3A_99 : vector<50x128xf32> to vector<1x50x128xf32>
    tpu.vector_store %arg2[%swap3A_100, %swap3A_101, %swap3A_102], %swap3A_105 {strides = array<i32>} : memref<32x50x128xf32, #tpu.memory_space<vmem>>, vector<1x50x128xf32>,
    %get3A_106 = arith.constant 600 : index
    %get3A_107 = arith.constant 0 : index
    %get3A_108 = vector.load %arg1[%get3A_106, %get3A_107] : memref<1600x128xf32, #tpu.memory_space<vmem>>, vector<50x128xf32>
    %swap3A_109 = arith.constant 12 : index
    %swap3A_110 = arith.constant 0 : index
    %swap3A_111 = arith.constant 0 : index
    %swap3A_112 = vector.load %arg2[%swap3A_109, %swap3A_110, %swap3A_111] : memref<32x50x128xf32, #tpu.memory_space<vmem>>, vector<1x50x128xf32>
    %swap3A_113 = vector.shape_cast %swap3A_112 : vector<1x50x128xf32> to vector<50x128xf32>
    %swap3A_114 = vector.shape_cast %get3A_108 : vector<50x128xf32> to vector<1x50x128xf32>
    tpu.vector_store %arg2[%swap3A_109, %swap3A_110, %swap3A_111], %swap3A_114 {strides = array<i32>} : memref<32x50x128xf32, #tpu.memory_space<vmem>>, vector<1x50x128xf32>,
    %get3A_115 = arith.constant 650 : index
    %get3A_116 = arith.constant 0 : index
    %get3A_117 = vector.load %arg1[%get3A_115, %get3A_116] : memref<1600x128xf32, #tpu.memory_space<vmem>>, vector<50x128xf32>
    %swap3A_118 = arith.constant 13 : index
    %swap3A_119 = arith.constant 0 : index
    %swap3A_120 = arith.constant 0 : index
    %swap3A_121 = vector.load %arg2[%swap3A_118, %swap3A_119, %swap3A_120] : memref<32x50x128xf32, #tpu.memory_space<vmem>>, vector<1x50x128xf32>
    %swap3A_122 = vector.shape_cast %swap3A_121 : vector<1x50x128xf32> to vector<50x128xf32>
    %swap3A_123 = vector.shape_cast %get3A_117 : vector<50x128xf32> to vector<1x50x128xf32>
    tpu.vector_store %arg2[%swap3A_118, %swap3A_119, %swap3A_120], %swap3A_123 {strides = array<i32>} : memref<32x50x128xf32, #tpu.memory_space<vmem>>, vector<1x50x128xf32>,
    %get3A_124 = arith.constant 700 : index
    %get3A_125 = arith.constant 0 : index
    %get3A_126 = vector.load %arg1[%get3A_124, %get3A_125] : memref<1600x128xf32, #tpu.memory_space<vmem>>, vector<50x128xf32>
    %swap3A_127 = arith.constant 14 : index
    %swap3A_128 = arith.constant 0 : index
    %swap3A_129 = arith.constant 0 : index
    %swap3A_130 = vector.load %arg2[%swap3A_127, %swap3A_128, %swap3A_129] : memref<32x50x128xf32, #tpu.memory_space<vmem>>, vector<1x50x128xf32>
    %swap3A_131 = vector.shape_cast %swap3A_130 : vector<1x50x128xf32> to vector<50x128xf32>
    %swap3A_132 = vector.shape_cast %get3A_126 : vector<50x128xf32> to vector<1x50x128xf32>
    tpu.vector_store %arg2[%swap3A_127, %swap3A_128, %swap3A_129], %swap3A_132 {strides = array<i32>} : memref<32x50x128xf32, #tpu.memory_space<vmem>>, vector<1x50x128xf32>,
    %get3A_133 = arith.constant 750 : index
    %get3A_134 = arith.constant 0 : index
    %get3A_135 = vector.load %arg1[%get3A_133, %get3A_134] : memref<1600x128xf32, #tpu.memory_space<vmem>>, vector<50x128xf32>
    %swap3A_136 = arith.constant 15 : index
    %swap3A_137 = arith.constant 0 : index
    %swap3A_138 = arith.constant 0 : index
    %swap3A_139 = vector.load %arg2[%swap3A_136, %swap3A_137, %swap3A_138] : memref<32x50x128xf32, #tpu.memory_space<vmem>>, vector<1x50x128xf32>
    %swap3A_140 = vector.shape_cast %swap3A_139 : vector<1x50x128xf32> to vector<50x128xf32>
    %swap3A_141 = vector.shape_cast %get3A_135 : vector<50x128xf32> to vector<1x50x128xf32>
    tpu.vector_store %arg2[%swap3A_136, %swap3A_137, %swap3A_138], %swap3A_141 {strides = array<i32>} : memref<32x50x128xf32, #tpu.memory_space<vmem>>, vector<1x50x128xf32>,
    %get3A_142 = arith.constant 800 : index
    %get3A_143 = arith.constant 0 : index
    %get3A_144 = vector.load %arg1[%get3A_142, %get3A_143] : memref<1600x128xf32, #tpu.memory_space<vmem>>, vector<50x128xf32>
    %swap3A_145 = arith.constant 16 : index
    %swap3A_146 = arith.constant 0 : index
    %swap3A_147 = arith.constant 0 : index
    %swap3A_148 = vector.load %arg2[%swap3A_145, %swap3A_146, %swap3A_147] : memref<32x50x128xf32, #tpu.memory_space<vmem>>, vector<1x50x128xf32>
    %swap3A_149 = vector.shape_cast %swap3A_148 : vector<1x50x128xf32> to vector<50x128xf32>
    %swap3A_150 = vector.shape_cast %get3A_144 : vector<50x128xf32> to vector<1x50x128xf32>
    tpu.vector_store %arg2[%swap3A_145, %swap3A_146, %swap3A_147], %swap3A_150 {strides = array<i32>} : memref<32x50x128xf32, #tpu.memory_space<vmem>>, vector<1x50x128xf32>,
    %get3A_151 = arith.constant 850 : index
    %get3A_152 = arith.constant 0 : index
    %get3A_153 = vector.load %arg1[%get3A_151, %get3A_152] : memref<1600x128xf32, #tpu.memory_space<vmem>>, vector<50x128xf32>
    %swap3A_154 = arith.constant 17 : index
    %swap3A_155 = arith.constant 0 : index
    %swap3A_156 = arith.constant 0 : index
    %swap3A_157 = vector.load %arg2[%swap3A_154, %swap3A_155, %swap3A_156] : memref<32x50x128xf32, #tpu.memory_space<vmem>>, vector<1x50x128xf32>
    %swap3A_158 = vector.shape_cast %swap3A_157 : vector<1x50x128xf32> to vector<50x128xf32>
    %swap3A_159 = vector.shape_cast %get3A_153 : vector<50x128xf32> to vector<1x50x128xf32>
    tpu.vector_store %arg2[%swap3A_154, %swap3A_155, %swap3A_156], %swap3A_159 {strides = array<i32>} : memref<32x50x128xf32, #tpu.memory_space<vmem>>, vector<1x50x128xf32>,
    %get3A_160 = arith.constant 900 : index
    %get3A_161 = arith.constant 0 : index
    %get3A_162 = vector.load %arg1[%get3A_160, %get3A_161] : memref<1600x128xf32, #tpu.memory_space<vmem>>, vector<50x128xf32>
    %swap3A_163 = arith.constant 18 : index
    %swap3A_164 = arith.constant 0 : index
    %swap3A_165 = arith.constant 0 : index
    %swap3A_166 = vector.load %arg2[%swap3A_163, %swap3A_164, %swap3A_165] : memref<32x50x128xf32, #tpu.memory_space<vmem>>, vector<1x50x128xf32>
    %swap3A_167 = vector.shape_cast %swap3A_166 : vector<1x50x128xf32> to vector<50x128xf32>
    %swap3A_168 = vector.shape_cast %get3A_162 : vector<50x128xf32> to vector<1x50x128xf32>
    tpu.vector_store %arg2[%swap3A_163, %swap3A_164, %swap3A_165], %swap3A_168 {strides = array<i32>} : memref<32x50x128xf32, #tpu.memory_space<vmem>>, vector<1x50x128xf32>,
    %get3A_169 = arith.constant 950 : index
    %get3A_170 = arith.constant 0 : index
    %get3A_171 = vector.load %arg1[%get3A_169, %get3A_170] : memref<1600x128xf32, #tpu.memory_space<vmem>>, vector<50x128xf32>
    %swap3A_172 = arith.constant 19 : index
    %swap3A_173 = arith.constant 0 : index
    %swap3A_174 = arith.constant 0 : index
    %swap3A_175 = vector.load %arg2[%swap3A_172, %swap3A_173, %swap3A_174] : memref<32x50x128xf32, #tpu.memory_space<vmem>>, vector<1x50x128xf32>
    %swap3A_176 = vector.shape_cast %swap3A_175 : vector<1x50x128xf32> to vector<50x128xf32>
    %swap3A_177 = vector.shape_cast %get3A_171 : vector<50x128xf32> to vector<1x50x128xf32>
    tpu.vector_store %arg2[%swap3A_172, %swap3A_173, %swap3A_174], %swap3A_177 {strides = array<i32>} : memref<32x50x128xf32, #tpu.memory_space<vmem>>, vector<1x50x128xf32>,
    %get3A_178 = arith.constant 1000 : index
    %get3A_179 = arith.constant 0 : index
    %get3A_180 = vector.load %arg1[%get3A_178, %get3A_179] : memref<1600x128xf32, #tpu.memory_space<vmem>>, vector<50x128xf32>
    %swap3A_181 = arith.constant 20 : index
    %swap3A_182 = arith.constant 0 : index
    %swap3A_183 = arith.constant 0 : index
    %swap3A_184 = vector.load %arg2[%swap3A_181, %swap3A_182, %swap3A_183] : memref<32x50x128xf32, #tpu.memory_space<vmem>>, vector<1x50x128xf32>
    %swap3A_185 = vector.shape_cast %swap3A_184 : vector<1x50x128xf32> to vector<50x128xf32>
    %swap3A_186 = vector.shape_cast %get3A_180 : vector<50x128xf32> to vector<1x50x128xf32>
    tpu.vector_store %arg2[%swap3A_181, %swap3A_182, %swap3A_183], %swap3A_186 {strides = array<i32>} : memref<32x50x128xf32, #tpu.memory_space<vmem>>, vector<1x50x128xf32>,
    %get3A_187 = arith.constant 1050 : index
    %get3A_188 = arith.constant 0 : index
    %get3A_189 = vector.load %arg1[%get3A_187, %get3A_188] : memref<1600x128xf32, #tpu.memory_space<vmem>>, vector<50x128xf32>
    %swap3A_190 = arith.constant 21 : index
    %swap3A_191 = arith.constant 0 : index
    %swap3A_192 = arith.constant 0 : index
    %swap3A_193 = vector.load %arg2[%swap3A_190, %swap3A_191, %swap3A_192] : memref<32x50x128xf32, #tpu.memory_space<vmem>>, vector<1x50x128xf32>
    %swap3A_194 = vector.shape_cast %swap3A_193 : vector<1x50x128xf32> to vector<50x128xf32>
    %swap3A_195 = vector.shape_cast %get3A_189 : vector<50x128xf32> to vector<1x50x128xf32>
    tpu.vector_store %arg2[%swap3A_190, %swap3A_191, %swap3A_192], %swap3A_195 {strides = array<i32>} : memref<32x50x128xf32, #tpu.memory_space<vmem>>, vector<1x50x128xf32>,
    %get3A_196 = arith.constant 1100 : index
    %get3A_197 = arith.constant 0 : index
    %get3A_198 = vector.load %arg1[%get3A_196, %get3A_197] : memref<1600x128xf32, #tpu.memory_space<vmem>>, vector<50x128xf32>
    %swap3A_199 = arith.constant 22 : index
    %swap3A_200 = arith.constant 0 : index
    %swap3A_201 = arith.constant 0 : index
    %swap3A_202 = vector.load %arg2[%swap3A_199, %swap3A_200, %swap3A_201] : memref<32x50x128xf32, #tpu.memory_space<vmem>>, vector<1x50x128xf32>
    %swap3A_203 = vector.shape_cast %swap3A_202 : vector<1x50x128xf32> to vector<50x128xf32>
    %swap3A_204 = vector.shape_cast %get3A_198 : vector<50x128xf32> to vector<1x50x128xf32>
    tpu.vector_store %arg2[%swap3A_199, %swap3A_200, %swap3A_201], %swap3A_204 {strides = array<i32>} : memref<32x50x128xf32, #tpu.memory_space<vmem>>, vector<1x50x128xf32>,
    %get3A_205 = arith.constant 1150 : index
    %get3A_206 = arith.constant 0 : index
    %get3A_207 = vector.load %arg1[%get3A_205, %get3A_206] : memref<1600x128xf32, #tpu.memory_space<vmem>>, vector<50x128xf32>
    %swap3A_208 = arith.constant 23 : index
    %swap3A_209 = arith.constant 0 : index
    %swap3A_210 = arith.constant 0 : index
    %swap3A_211 = vector.load %arg2[%swap3A_208, %swap3A_209, %swap3A_210] : memref<32x50x128xf32, #tpu.memory_space<vmem>>, vector<1x50x128xf32>
    %swap3A_212 = vector.shape_cast %swap3A_211 : vector<1x50x128xf32> to vector<50x128xf32>
    %swap3A_213 = vector.shape_cast %get3A_207 : vector<50x128xf32> to vector<1x50x128xf32>
    tpu.vector_store %arg2[%swap3A_208, %swap3A_209, %swap3A_210], %swap3A_213 {strides = array<i32>} : memref<32x50x128xf32, #tpu.memory_space<vmem>>, vector<1x50x128xf32>,
    %get3A_214 = arith.constant 1200 : index
    %get3A_215 = arith.constant 0 : index
    %get3A_216 = vector.load %arg1[%get3A_214, %get3A_215] : memref<1600x128xf32, #tpu.memory_space<vmem>>, vector<50x128xf32>
    %swap3A_217 = arith.constant 24 : index
    %swap3A_218 = arith.constant 0 : index
    %swap3A_219 = arith.constant 0 : index
    %swap3A_220 = vector.load %arg2[%swap3A_217, %swap3A_218, %swap3A_219] : memref<32x50x128xf32, #tpu.memory_space<vmem>>, vector<1x50x128xf32>
    %swap3A_221 = vector.shape_cast %swap3A_220 : vector<1x50x128xf32> to vector<50x128xf32>
    %swap3A_222 = vector.shape_cast %get3A_216 : vector<50x128xf32> to vector<1x50x128xf32>
    tpu.vector_store %arg2[%swap3A_217, %swap3A_218, %swap3A_219], %swap3A_222 {strides = array<i32>} : memref<32x50x128xf32, #tpu.memory_space<vmem>>, vector<1x50x128xf32>,
    %get3A_223 = arith.constant 1250 : index
    %get3A_224 = arith.constant 0 : index
    %get3A_225 = vector.load %arg1[%get3A_223, %get3A_224] : memref<1600x128xf32, #tpu.memory_space<vmem>>, vector<50x128xf32>
    %swap3A_226 = arith.constant 25 : index
    %swap3A_227 = arith.constant 0 : index
    %swap3A_228 = arith.constant 0 : index
    %swap3A_229 = vector.load %arg2[%swap3A_226, %swap3A_227, %swap3A_228] : memref<32x50x128xf32, #tpu.memory_space<vmem>>, vector<1x50x128xf32>
    %swap3A_230 = vector.shape_cast %swap3A_229 : vector<1x50x128xf32> to vector<50x128xf32>
    %swap3A_231 = vector.shape_cast %get3A_225 : vector<50x128xf32> to vector<1x50x128xf32>
    tpu.vector_store %arg2[%swap3A_226, %swap3A_227, %swap3A_228], %swap3A_231 {strides = array<i32>} : memref<32x50x128xf32, #tpu.memory_space<vmem>>, vector<1x50x128xf32>,
    %get3A_232 = arith.constant 1300 : index
    %get3A_233 = arith.constant 0 : index
    %get3A_234 = vector.load %arg1[%get3A_232, %get3A_233] : memref<1600x128xf32, #tpu.memory_space<vmem>>, vector<50x128xf32>
    %swap3A_235 = arith.constant 26 : index
    %swap3A_236 = arith.constant 0 : index
    %swap3A_237 = arith.constant 0 : index
    %swap3A_238 = vector.load %arg2[%swap3A_235, %swap3A_236, %swap3A_237] : memref<32x50x128xf32, #tpu.memory_space<vmem>>, vector<1x50x128xf32>
    %swap3A_239 = vector.shape_cast %swap3A_238 : vector<1x50x128xf32> to vector<50x128xf32>
    %swap3A_240 = vector.shape_cast %get3A_234 : vector<50x128xf32> to vector<1x50x128xf32>
    tpu.vector_store %arg2[%swap3A_235, %swap3A_236, %swap3A_237], %swap3A_240 {strides = array<i32>} : memref<32x50x128xf32, #tpu.memory_space<vmem>>, vector<1x50x128xf32>,
    %get3A_241 = arith.constant 1350 : index
    %get3A_242 = arith.constant 0 : index
    %get3A_243 = vector.load %arg1[%get3A_241, %get3A_242] : memref<1600x128xf32, #tpu.memory_space<vmem>>, vector<50x128xf32>
    %swap3A_244 = arith.constant 27 : index
    %swap3A_245 = arith.constant 0 : index
    %swap3A_246 = arith.constant 0 : index
    %swap3A_247 = vector.load %arg2[%swap3A_244, %swap3A_245, %swap3A_246] : memref<32x50x128xf32, #tpu.memory_space<vmem>>, vector<1x50x128xf32>
    %swap3A_248 = vector.shape_cast %swap3A_247 : vector<1x50x128xf32> to vector<50x128xf32>
    %swap3A_249 = vector.shape_cast %get3A_243 : vector<50x128xf32> to vector<1x50x128xf32>
    tpu.vector_store %arg2[%swap3A_244, %swap3A_245, %swap3A_246], %swap3A_249 {strides = array<i32>} : memref<32x50x128xf32, #tpu.memory_space<vmem>>, vector<1x50x128xf32>,
    %get3A_250 = arith.constant 1400 : index
    %get3A_251 = arith.constant 0 : index
    %get3A_252 = vector.load %arg1[%get3A_250, %get3A_251] : memref<1600x128xf32, #tpu.memory_space<vmem>>, vector<50x128xf32>
    %swap3A_253 = arith.constant 28 : index
    %swap3A_254 = arith.constant 0 : index
    %swap3A_255 = arith.constant 0 : index
    %swap3A_256 = vector.load %arg2[%swap3A_253, %swap3A_254, %swap3A_255] : memref<32x50x128xf32, #tpu.memory_space<vmem>>, vector<1x50x128xf32>
    %swap3A_257 = vector.shape_cast %swap3A_256 : vector<1x50x128xf32> to vector<50x128xf32>
    %swap3A_258 = vector.shape_cast %get3A_252 : vector<50x128xf32> to vector<1x50x128xf32>
    tpu.vector_store %arg2[%swap3A_253, %swap3A_254, %swap3A_255], %swap3A_258 {strides = array<i32>} : memref<32x50x128xf32, #tpu.memory_space<vmem>>, vector<1x50x128xf32>,
    %get3A_259 = arith.constant 1450 : index
    %get3A_260 = arith.constant 0 : index
    %get3A_261 = vector.load %arg1[%get3A_259, %get3A_260] : memref<1600x128xf32, #tpu.memory_space<vmem>>, vector<50x128xf32>
    %swap3A_262 = arith.constant 29 : index
    %swap3A_263 = arith.constant 0 : index
    %swap3A_264 = arith.constant 0 : index
    %swap3A_265 = vector.load %arg2[%swap3A_262, %swap3A_263, %swap3A_264] : memref<32x50x128xf32, #tpu.memory_space<vmem>>, vector<1x50x128xf32>
    %swap3A_266 = vector.shape_cast %swap3A_265 : vector<1x50x128xf32> to vector<50x128xf32>
    %swap3A_267 = vector.shape_cast %get3A_261 : vector<50x128xf32> to vector<1x50x128xf32>
    tpu.vector_store %arg2[%swap3A_262, %swap3A_263, %swap3A_264], %swap3A_267 {strides = array<i32>} : memref<32x50x128xf32, #tpu.memory_space<vmem>>, vector<1x50x128xf32>,
    %get3A_268 = arith.constant 1500 : index
    %get3A_269 = arith.constant 0 : index
    %get3A_270 = vector.load %arg1[%get3A_268, %get3A_269] : memref<1600x128xf32, #tpu.memory_space<vmem>>, vector<50x128xf32>
    %swap3A_271 = arith.constant 30 : index
    %swap3A_272 = arith.constant 0 : index
    %swap3A_273 = arith.constant 0 : index
    %swap3A_274 = vector.load %arg2[%swap3A_271, %swap3A_272, %swap3A_273] : memref<32x50x128xf32, #tpu.memory_space<vmem>>, vector<1x50x128xf32>
    %swap3A_275 = vector.shape_cast %swap3A_274 : vector<1x50x128xf32> to vector<50x128xf32>
    %swap3A_276 = vector.shape_cast %get3A_270 : vector<50x128xf32> to vector<1x50x128xf32>
    tpu.vector_store %arg2[%swap3A_271, %swap3A_272, %swap3A_273], %swap3A_276 {strides = array<i32>} : memref<32x50x128xf32, #tpu.memory_space<vmem>>, vector<1x50x128xf32>,
    %get3A_277 = arith.constant 1550 : index
    %get3A_278 = arith.constant 0 : index
    %get3A_279 = vector.load %arg1[%get3A_277, %get3A_278] : memref<1600x128xf32, #tpu.memory_space<vmem>>, vector<50x128xf32>
    %swap3A_280 = arith.constant 31 : index
    %swap3A_281 = arith.constant 0 : index
    %swap3A_282 = arith.constant 0 : index
    %swap3A_283 = vector.load %arg2[%swap3A_280, %swap3A_281, %swap3A_282] : memref<32x50x128xf32, #tpu.memory_space<vmem>>, vector<1x50x128xf32>
    %swap3A_284 = vector.shape_cast %swap3A_283 : vector<1x50x128xf32> to vector<50x128xf32>
    %swap3A_285 = vector.shape_cast %get3A_279 : vector<50x128xf32> to vector<1x50x128xf32>
    tpu.vector_store %arg2[%swap3A_280, %swap3A_281, %swap3A_282], %swap3A_285 {strides = array<i32>} : memref<32x50x128xf32, #tpu.memory_space<vmem>>, vector<1x50x128xf32>,
    return
  }
  func.func @transform_0(%arg0: i32) -> (i32, i32) {
    %c0_i32 = arith.constant 0 : i32
    %c0_i32_0 = arith.constant 0 : i32
    return %arg0, %c0_i32 : i32, i32
  }
  func.func @transform_1(%arg0: i32) -> (i32, i32, i32) {
    %add3A = arith.constant 0 : i32
    %add3A_0 = arith.addi %add3A, %arg0 : i32
    %c0_i32 = arith.constant 0 : i32
    %c0_i32_1 = arith.constant 0 : i32
    %c0_i32_2 = arith.constant 0 : i32
    return %add3A_0, %c0_i32, %c0_i32_1 : i32, i32, i32
  }
}

</mosaic_0001>

<sc_bundles>
// kernel: kernel.4.cloned.1.call-start
scs
__scs_entry_jumppad:
0x0: {  	(pc) =	sbr.rel $0x88, $3  }
0x1: {  	(tag) =	ssettag $0x0;
	lr =	simm.s32 $0x1  }
0x2: {  	[smem:$0x3F9F] =	sst lr;
	_ =	strace $0xD0000000  }
0x3: {  	_ = 	snop  }
0x4: {  	_ = 	snop  }
0x5: {  	_ = 	snop  }
0x6: {  	_ = 	snop  }
0x7: {  	_ = 	snop  }
__scs_overlays_trampoline_lowered:
0x8: {  	[smem:$0x3FAE] =	sst s0  }
0x9: {  	[smem:$0x3FAF] =	sst s1  }
0xa: {  	[smem:$0x3FB0] =	sst s2  }
0xb: {  	[smem:$0x3FB1] =	sst s3  }
0xc: {  	[smem:$0x3FB2] =	sst s4  }
0xd: {  	[smem:$0x3FB3] =	sst s5  }
0xe: {  	[smem:$0x3FB4] =	sst s6  }
0xf: {  	[smem:$0x3FB5] =	sst s7  }
0x10: {  	[smem:$0x3FB6] =	sst s8  }
0x11: {  	[smem:$0x3FB7] =	sst s9;
	s0 =	simm.s32 @!p0 $0x0  }
0x12: {  	s1 =	sld [smem:$0x3F9D];
	s0 =	simm.s32 @p0 $0x1  }
0x13: {  	[smem:$0x3FB8] =	sst s0;
	s0 =	simm.s32 @!p1 $0x0  }
0x14: {  	s2 =	sld [smem:$0x3F9C];
	s0 =	simm.s32 @p1 $0x1  }
0x15: {  	[smem:$0x3FB9] =	sst s0;
	s0 =	simm.s32 @!p2 $0x0  }
0x16: {  	s3 =	sld [smem:$0x3FDB];
	s0 =	simm.s32 @p2 $0x1  }
0x17: {  	s4 =	simm.s32 $0x1BF5;
	[smem:$0x3FBB] =	sst s0  }
0x18: {  	s0 =	sld [smem:$0x3F9E];
	_ =	swait.ge [sflag:s4], $0x0  }
0x19: {  	s7 =	sld [smem:$0x3F9F]  }
0x1a: {  	s8 =	sadd.s32 $0xFFFFE003, lr  }
0x1b: {  	s9 =	sadd.s32 $0xFFFFFEF7, lr;
	s5 =	simm.s32 $0xFFFFFFFF;
	p2 =	slt.u32 s8, $0xFFFFF086  }
0x1c: {  	p1 =	slt.u32 s9, $0xF7A;
	s5 =	simm.s32 @!p2 $0x0  }
0x1d: {  	s5 =	simm.s32 @p1 $0x1;
	p0 =	seq.s32 s7, s2  }
0x1e: {  	s7 =	smul.u32 @!p0 $0xF7A, s2;
	p2 =	seq.s32 @!p0 s5, $0x0  }
0x1f: {  	s9 =	smul.u32 $0xF7A, s1;
	s8 =	simm.s32 @!p0 $0x1BF5;
	p2 =	por !p2, p0  }
0x20: {  	[sflag:s8] =	ssyncset.s32 @!p0 $0xFFFFF086;
	s6 =	sadd.s32 @!p0 s3, s7;
	s7 =	simm.s32 @!p0 $0x108  }
0x21: {  	s3 =	sadd.s32 s3, s9;
	s6 =	sadd.s32 @!p0 $0x88, s6;
	s7 =	simm.s32 @p2 $0x1082  }
0x22: {  	[simem:s7], [sflag:s8] =	dma.local @!p0 [hbm:s6], $0xF7A  }
0x23: {  	s9 =	sor.u32 $0xD0000000, s2;
	s6 =	simm.s32 $0x108;
	_ =	swait.ge @!p0 [sflag:s8], $0x0  }
0x24: {  	s3 =	sadd.s32 $0x88, s3;
	s6 =	simm.s32 @!p1 $0x1082;
	[sflag:s4] =	ssyncset.s32 $0xFFFFF086  }
0x25: {  	[simem:s6], [sflag:s4] =	dma.local [hbm:s3], $0xF7A  }
0x26: {  	[smem:$0x3F9F] =	sst s1;
	(tag) =	ssettag s2;
	_ =	strace s9  }
0x27: {  	s1 =	sld [smem:$0x3FAF]  }
0x28: {  	s2 =	sld [smem:$0x3FB0]  }
0x29: {  	s4 =	sld [smem:$0x3FB2]  }
0x2a: {  	p0 =	seq.s32 s5, $0x0;
	s5 =	sld [smem:$0x3FB3]  }
0x2b: {  	s6 =	sld [smem:$0x3FB4]  }
0x2c: {  	s7 =	sld [smem:$0x3FB5]  }
0x2d: {  	s3 =	simm.s32 $0x108;
	s8 =	sld [smem:$0x3FB6]  }
0x2e: {  	s3 =	simm.s32 @!p0 $0x1082;
	s9 =	sld [smem:$0x3FB7]  }
0x2f: {  	lr =	sadd.s32 s0, s3;
	s0 =	sld [smem:$0x3FAE]  }
0x30: {  	s3 =	sld [smem:$0x3FB1]  }
0x31: {  	[smem:$0x3FBA] =	sst s10  }
0x32: {  	s10 =	sld [smem:$0x3FB8];
	_ =	sdelay $0x3  }
0x33: {  	p0 =	seq.s32 s10, $0x1;
	s10 =	sld [smem:$0x3FBA];
	_ =	sdelay $0x3  }
0x34: {  	[smem:$0x3FBA] =	sst s10  }
0x35: {  	s10 =	sld [smem:$0x3FB9];
	_ =	sdelay $0x3  }
0x36: {  	p1 =	seq.s32 s10, $0x1;
	s10 =	sld [smem:$0x3FBA];
	_ =	sdelay $0x3  }
0x37: {  	[smem:$0x3FBA] =	sst s10  }
0x38: {  	s10 =	sld [smem:$0x3FBB]  }
0x39: {  	_ = 	snop;
	(pc) =	sbr.ind lr, $3  }
0x3a: {  	_ = 	snop  }
0x3b: {  	_ = 	snop  }
0x3c: {  	p2 =	seq.s32 s10, $0x1;
	s10 =	sld [smem:$0x3FBA]  }
0x3d: {  	_ =	shalt  }
0x3e: {  	_ =	shalt  }
0x3f: {  	_ =	shalt  }
0x40: {  	_ =	shalt  }
0x41: {  	_ =	shalt  }
0x42: {  	_ =	shalt  }
0x43: {  	_ =	shalt  }
0x44: {  	_ =	shalt  }
0x45: {  	_ =	shalt  }
0x46: {  	_ =	shalt  }
0x47: {  	_ =	shalt  }
0x48: {  	_ =	shalt  }
0x49: {  	_ =	shalt  }
0x4a: {  	_ =	shalt  }
0x4b: {  	_ =	shalt  }
0x4c: {  	_ =	shalt  }
0x4d: {  	_ =	shalt  }
0x4e: {  	_ =	shalt  }
0x4f: {  	_ =	shalt  }
0x50: {  	_ =	shalt  }
0x51: {  	_ =	shalt  }
0x52: {  	_ =	shalt  }
0x53: {  	_ =	shalt  }
0x54: {  	_ =	shalt  }
0x55: {  	_ =	shalt  }
0x56: {  	_ =	shalt  }
0x57: {  	_ =	shalt  }
0x58: {  	_ =	shalt  }
0x59: {  	_ =	shalt  }
0x5a: {  	_ =	shalt  }
0x5b: {  	_ =	shalt  }
0x5c: {  	_ =	shalt  }
0x5d: {  	_ =	shalt  }
0x5e: {  	_ =	shalt  }
0x5f: {  	_ =	shalt  }
0x60: {  	_ =	shalt  }
0x61: {  	_ =	shalt  }
0x62: {  	_ =	shalt  }
0x63: {  	_ =	shalt  }
0x64: {  	_ =	shalt  }
0x65: {  	_ =	shalt  }
0x66: {  	_ =	shalt  }
0x67: {  	_ =	shalt  }
0x68: {  	_ =	shalt  }
0x69: {  	_ =	shalt  }
0x6a: {  	_ =	shalt  }
0x6b: {  	_ =	shalt  }
0x6c: {  	_ =	shalt  }
0x6d: {  	_ =	shalt  }
0x6e: {  	_ =	shalt  }
0x6f: {  	_ =	shalt  }
0x70: {  	_ =	shalt  }
0x71: {  	_ =	shalt  }
0x72: {  	_ =	shalt  }
0x73: {  	_ =	shalt  }
0x74: {  	_ =	shalt  }
0x75: {  	_ =	shalt  }
0x76: {  	_ =	shalt  }
0x77: {  	_ =	shalt  }
0x78: {  	_ =	shalt  }
0x79: {  	_ =	shalt  }
0x7a: {  	_ =	shalt  }
0x7b: {  	_ =	shalt  }
0x7c: {  	_ =	shalt  }
0x7d: {  	_ =	shalt  }
0x7e: {  	_ =	shalt  }
0x7f: {  	_ =	shalt  }
0x80: {  	_ =	shalt  }
0x81: {  	_ =	shalt  }
0x82: {  	_ =	shalt  }
0x83: {  	_ =	shalt  }
0x84: {  	_ =	shalt  }
0x85: {  	_ =	shalt  }
0x86: {  	_ =	shalt  }
0x87: {  	_ =	shalt  }
.Lfunc_end0:
.L_simem_size_0:
called_computation_lowered:
.L_overlay_start_0:
0x88: {  	s2 =	sld [smem:$0x3FD9]  }
0x89: {  	s3 =	sld [smem:$0x3FFE];
	_ =	sdelay $0x1  }
0x8a: {  	s1 =	srdreg.scid  }
0x8b: {  	s0 =	sand.u32 $0x1, s1  }
0x8c: {  	s17 =	sshll.u32 s0, $0xA;
	s2 =	sadd.s32 s3, s2  }
0x8d: {  	s2 =	sadd.s32 s2, s17  }
0x8e: {  	[smem:$0x3FC6] =	sst s2  }
0x8f: {  	_ = 	snop  }
0x90: {  	s2 =	sld [smem:$0x3FC8]  }
0x91: {  	s18 =	sld [smem:$0x3FD0];
	(tm) =	ssettm $0x1  }
0x92: {  	s4 =	sld [smem:$0x3FFB];
	_ =	sdelay $0x3  }
0x93: {  	_ =	strace s4  }
0x94: {  	s4 =	sld [smem:$0x3FFC];
	_ =	sdelay $0x3  }
0x95: {  	_ =	strace s4  }
0x96: {  	s4 =	sld [smem:$0x3FFD];
	_ =	sdelay $0x3  }
0x97: {  	_ =	strace s4  }
0x98: {  	_ =	strace $0x8FFFFFFF  }
0x99: {  	s19 =	sld [smem:$0x3FDB];
	_ =	sdelay $0x1  }
0x9a: {  	s5 =	simm.s32 $_scs_section_size  }
0x9b: {  	s6 =	simm.s32 $_size__tile_overlayer_lowered;
	s7 =	simm.s32 $_tile_overlayer_lowered  }
0x9c: {  	s22 =	simm.s32 $0x1BFF;
	s21 =	sshll.u32 s7, $0x1;
	s4 =	sadd.s32 s5, s19  }
0x9d: {  	s8 =	simm.s32 $0x0;
	s20 =	sshll.u32 s6, $0x1;
	s6 =	sadd.s32 s21, s4  }
0x9e: {  	[timem:s8], [sflag:s22] =	dma.local [hbm:s6], s20  }
0x9f: {  	_ =	swait.ge [sflag:s22], s20  }
0xa0: {  	s5 =	ssub.s32 $0x0, s20;
	[sflag:s22] =	ssyncset.done $0x0  }
0xa1: {  	[sflag:s22] =	ssyncadd.s32 s5;
	_ =	sdelay $0x1  }
0xa2: {  	s23 =	simm.s32 $0x1B8B  }
0xa3: {  	_ =	swait.ge [sflag:s23], $0x1  }
0xa4: {  	[sflag:s23] =	ssyncset.done $0x0  }
0xa5: {  	s25 =	simm.s32 $0x1B8E;
	s24 =	sld [smem:$0x3FFE];
	[sflag:s23] =	ssyncadd.s32 $0xFFFFFFFF  }
0xa6: {  	s26 =	simm.s32 $execute0_lowered;
	[smem:$0x3FD2] =	sst s25  }
0xa7: {  	s6 =	sshll.u32 s26, $0x1;
	_ =	strace $0x80000046;
	[dreg:$0x1] =	wrdreg $0xFFFFFFFF  }
0xa8: {  	s28 =	simm.s32 $_size_execute0_lowered;
	s4 =	sadd.s32 s4, s6;
	[dreg:$0x0] =	wrdreg $0x0  }
0xa9: {  	s6 =	sshll.u32 s28, $0x1;
	[dreg:$0x2] =	wrdreg s4  }
0xaa: {  	[dreg:$0x3] =	wrdreg s6  }
0xab: {  	[dreg:$0x4] =	wrdreg $0xC0  }
0xac: {  	_ =	task [dreg:s8], $0x5FFFF  }
0xad: {  	[dreg:$0x1] =	wrdreg $0xFFFFFFFF  }
0xae: {  	[dreg:$0x0] =	wrdreg $0x60  }
0xaf: {  	[dreg:$0x2] =	wrdreg s2  }
0xb0: {  	[dreg:$0x3] =	wrdreg s24  }
0xb1: {  	[dreg:$0x4] =	wrdreg s18  }
0xb2: {  	[dreg:$0x5] =	wrdreg $0x9  }
0xb3: {  	_ =	task.clear_ibuf [dreg:s8], $0x6FFFF;
	_ =	strace $0x90000046  }
0xb4: {  	s29 =	simm.s32 $0x9;
	_ =	strace $0x8000004F  }
0xb5: {  	_ =	swait.ge [sflag:s29], $0x1  }
0xb6: {  	[sflag:s29] =	ssyncadd.s32 $0xFFFFFFFF  }
0xb7: {  	_ =	strace $0x9000004F  }
0xb8: {  	_ =	sfence  }
0xb9: {  	s30 =	sld [smem:$0x0];
	_ =	sdelay $0x2  }
0xba: {  	s31 =	sshll.u32 s1, $0xD;
	s1 =	sshrl.u32 s1, $0x2  }
0xbb: {  	s3 =	sand.u32 $0x4000, s31;
	s1 =	sadd.s32 s1, s30  }
0xbc: {  	s0 =	sor.u32 s3, s0;
	s1 =	sshll.u32 s1, $0x11  }
0xbd: {  	s0 =	sor.u32 s1, s0  }
0xbe: {  	s0 =	sadd.s32 $0x8F2B, s0  }
0xbf: {  	[sflag:s0] =	ssyncadd.remote.s32 $0x1  }
0xc0: {  	_ =	sfence.sel $0xFFFF  }
0xc1: {  	[dreg:$0x0] =	wrdreg $0xFFFFFFFF;
	(pc) =	sbr.abs _section_cstart, $3  }
0xc2: {  	[dreg:$0x1] =	wrdreg $0xFFFFFFFF  }
0xc3: {  	_ =	task.clear_ibuf [dreg:s8], $0x2FFFF;
	_ =	strace $0x9FFFFFFF  }
0xc4: {  	(tm) =	ssettm $0x7FFFFFFF  }
0xc5: {  	_ =	shalt  }
tec
execute0_lowered:
.L_overlay_start_1:
0x0: {  	(tag) =	ssettag $0x1  }
0x1: {  	s1 =	rddreg [dreg:$0x0]  }
0x2: {  	s4 =	rddreg [dreg:$0x1]  }
0x3: {  	s0 =	rddreg [dreg:$0x2];
	s2 =	simm.s32 $0x0  }
0x4: {  	s3 =	srdreg.scid;
	s9 =	simm.s32 $0x32;
	[dreg:$0x4] =	wrdreg s0  }
0x5: {  	s10 =	simm.s32 $0x5;
	s11 =	simm.s32 $0x0;
	s0 =	rddreg [dreg:$0x3]  }
0x6: {  	[smem:$0x7FF] =	sst s2;
	s5 =	sand.u32 $0x1, s3;
	s3 =	stileid.u32  }
0x7: {  	s4 =	sadd.s32 $0x400, s4;
	s6 =	ssub.s32 $0x2, s5;
	s5 =	sshll.u32 s5, $0x4  }
0x8: {  	_ =	strace $0x80000047;
	s7 =	sshrl.u32 s6, $0x1;
	s8 =	sor.u32 s3, s5  }
0x9: {  	s7 =	ssub.s32 s6, s7;
	s5 =	sshll.u32 s8, $0x4;
	s31 =	sshll.u32 s8, $0xB  }
0xa: {  	s8 =	simm.s32 $0x1;
	s6 =	sadd.s32 s4, s31;
	s7 =	smax.u32 s7, $0x1  }
.LBB2_1:
0xb: {  	_ =	strace $0x80000048;
	s12 =	simm.s32 $0x1;
	p0 =	por $0x0, $0x0  }
0xc: {  	[tilespmem:s2], [sflag:$0x2] =	stream.linear.gather [hbm4b:s6+s2], $0x400, $0x200038;
	[tilespmem:$0x19800] =	vst v63  }
0xd: {  	s12 =	simm.s32 @p0 $0x0  }
0xe: {  	p1 =	por $0x1, $0x1;
	p0 =	sne.s32 s12, $0x0  }
0xf: {  	p1 =	por !p1, !p0  }
0x10: {  	p1 =	por !p1, !p1  }
0x11: {  	s13 =	sadd.s32 @p1 s5, s12  }
0x12: {  	_ =	strace $0x90000048;
	s14 =	sand.u32 @p1 $0x1, s8;
	s13 =	sshll.u32 @p1 s13, $0x7  }
0x13: {  	s15 =	simm.s32 @p1 $0x0;
	_ =	strace @p1 $0x80000049;
	s13 =	sand.u32 @p1 $0x1FFFFF80, s13  }
0x14: {  	s16 =	sshll.u32 @p1 s14, $0xA;
	s14 =	sor.u32 @p1 $0x2, s14;
	s13 =	sadd.s32 @p1 s4, s13  }
0x15: {  	[tilespmem:s16], [sflag:s14] =	stream.linear.gather @p1 [hbm4b:s13+s15], $0x400, $0x200038;
	[tilespmem:$0x19800] =	vst v63  }
0x16: {  	s15 =	sand.u32 $0x1, s2;
	_ =	strace @p1 $0x90000049  }
0x17: {  	s16 =	sor.u32 $0x2, s15;
	_ =	strace $0x8000004A  }
0x18: {  	_ =	swait.ge [sflag:s16], $0x400  }
0x19: {  	s17 =	smul.u32 $0x32000, s15;
	[sflag:s16] =	ssyncset.done $0x0  }
0x1a: {  	[sflag:s16] =	ssyncadd.s32 $0xFFFFFC00  }
0x1b: {  	s18 =	simm.s32 $0x0;
	s14 =	sshrl.u32 s17, $0x2;
	_ =	strace $0x9000004A  }
0x1c: {  	s13 =	sand.u32 $0x400, s18;
	s16 =	sadd.s32 $0x800, s14;
	_ =	strace $0x8000004B  }
0x1d: {  	[tilespmem:s16], [sflag:$0x1] =	stream.indirect.gather [hbm4b:s1+s9], $0x80, s13, s9, $0x2000b8;
	[tilespmem:$0x19800] =	vst v63  }
0x1e: {  	s18 =	sor.u32 $0x80, s13;
	s17 =	sadd.s32 $0x2100, s14  }
0x1f: {  	[tilespmem:s17], [sflag:$0x1] =	stream.indirect.gather [hbm4b:s1+s9], $0x80, s18, s9, $0x2000b8;
	[tilespmem:$0x19800] =	vst v63  }
0x20: {  	s20 =	sor.u32 $0x100, s13;
	s19 =	sadd.s32 $0x3A00, s14  }
0x21: {  	[tilespmem:s19], [sflag:$0x1] =	stream.indirect.gather [hbm4b:s1+s9], $0x80, s20, s9, $0x2000b8;
	[tilespmem:$0x19800] =	vst v63  }
0x22: {  	s22 =	sor.u32 $0x180, s13;
	s21 =	sadd.s32 $0x5300, s14  }
0x23: {  	[tilespmem:s21], [sflag:$0x1] =	stream.indirect.gather [hbm4b:s1+s9], $0x80, s22, s9, $0x2000b8;
	[tilespmem:$0x19800] =	vst v63  }
0x24: {  	s24 =	sor.u32 $0x200, s13;
	s23 =	sadd.s32 $0x6C00, s14  }
0x25: {  	[tilespmem:s23], [sflag:$0x1] =	stream.indirect.gather [hbm4b:s1+s9], $0x80, s24, s9, $0x2000b8;
	[tilespmem:$0x19800] =	vst v63  }
0x26: {  	s26 =	sor.u32 $0x280, s13;
	s25 =	sadd.s32 $0x8500, s14  }
0x27: {  	[tilespmem:s25], [sflag:$0x1] =	stream.indirect.gather [hbm4b:s1+s9], $0x80, s26, s9, $0x2000b8;
	[tilespmem:$0x19800] =	vst v63  }
0x28: {  	s31 =	sor.u32 $0x300, s13;
	s30 =	sadd.s32 $0x9E00, s14  }
0x29: {  	[tilespmem:s30], [sflag:$0x1] =	stream.indirect.gather [hbm4b:s1+s9], $0x80, s31, s9, $0x2000b8;
	[tilespmem:$0x19800] =	vst v63  }
0x2a: {  	s14 =	sadd.s32 $0xB700, s14;
	s13 =	sor.u32 $0x380, s13  }
0x2b: {  	[tilespmem:s14], [sflag:$0x1] =	stream.indirect.gather [hbm4b:s1+s9], $0x80, s13, s9, $0x2000b8;
	[tilespmem:$0x19800] =	vst v63  }
0x2c: {  	_ =	swait.ge [sflag:s8], $0x1900  }
0x2d: {  	[sflag:s8] =	ssyncset.done $0x0  }
0x2e: {  	[sflag:s8] =	ssyncadd.s32 $0xFFFFE700  }
0x2f: {  	_ =	swait.ge [sflag:s8], $0x1900  }
0x30: {  	[sflag:s8] =	ssyncset.done $0x0  }
0x31: {  	[sflag:s8] =	ssyncadd.s32 $0xFFFFE700  }
0x32: {  	_ =	swait.ge [sflag:s8], $0x1900  }
0x33: {  	[sflag:s8] =	ssyncset.done $0x0  }
0x34: {  	[sflag:s8] =	ssyncadd.s32 $0xFFFFE700  }
0x35: {  	_ =	swait.ge [sflag:s8], $0x1900  }
0x36: {  	[sflag:s8] =	ssyncset.done $0x0  }
0x37: {  	p2 =	por $0x1, $0x1;
	p3 =	por $0x0, $0x0;
	[sflag:s8] =	ssyncadd.s32 $0xFFFFE700  }
0x38: {  	p4 =	por $0x0, $0x0;
	p6 =	por $0x1, $0x1;
	_ =	swait.ge [sflag:s8], $0x1900  }
0x39: {  	p5 =	por p3, p0;
	s17 =	simm.s32 $0xE;
	[sflag:s8] =	ssyncset.done $0x0  }
0x3a: {  	s19 =	sadd.s32 $0x0, s5;
	s20 =	sadd.s32 $0x1, s12;
	[sflag:s8] =	ssyncadd.s32 $0xFFFFE700  }
0x3b: {  	s22 =	smul.u32 @p5 $0xC800, s19;
	s19 =	simm.s32 $0x0;
	_ =	swait.ge [sflag:s8], $0x1900  }
0x3c: {  	s21 =	simm.s32 $0x0;
	s23 =	simm.s32 @p5 $0x0;
	[sflag:s8] =	ssyncset.done $0x0  }
0x3d: {  	s26 =	simm.s32 $0x1;
	s14 =	simm.s32 $0x1;
	[sflag:s8] =	ssyncadd.s32 $0xFFFFE700  }
0x3e: {  	s14 =	simm.s32 @!p1 $0x0;
	p1 =	por p2, p2;
	_ =	swait.ge [sflag:s8], $0x1900  }
0x3f: {  	s18 =	sadd.s32 $0x1, s14;
	s14 =	sand.u32 @!p2 $0x1, s2;
	[sflag:s8] =	ssyncset.done $0x0  }
0x40: {  	s24 =	sor.u32 @!p1 $0x4, s14;
	s14 =	simm.s32 $0x1;
	[sflag:s8] =	ssyncadd.s32 $0xFFFFE700  }
0x41: {  	s14 =	simm.s32 @!p4 $0x0;
	p4 =	seq.s32 s20, $0x10;
	_ =	swait.ge [sflag:s8], $0x1900  }
0x42: {  	s26 =	simm.s32 @!p5 $0x0;
	s20 =	simm.s32 @p4 $0x0;
	[sflag:s8] =	ssyncset.done $0x0  }
0x43: {  	s13 =	simm.s32 $0xF;
	p0 =	sne.s32 s12, s20;
	[sflag:s8] =	ssyncadd.s32 $0xFFFFE700  }
0x44: {  	p2 =	por $0x0, $0x0;
	p3 =	por !p6, !p0;
	_ =	strace $0x9000004B  }
0x45: {  	s14 =	sadd.s32 $0x0, s14;
	p4 =	por !p3, !p3;
	_ =	strace @p5 $0x8000004C  }
0x46: {  	s25 =	sand.u32 @p4 $0x1, s18;
	s29 =	sadd.s32 @p4 s5, s20;
	s28 =	rddreg [dreg:$0x4]  }
.LBB2_2:
0x47: {  	s30 =	sshrl.u32 @p5 s22, $0x3  }
0x48: {  	s15 =	sor.u32 @p5 $0x4, s15;
	s28 =	sadd.s32 @p5 s28, s30  }
0x49: {  	[hbm4b:s28+s23] =	stream.linear.scatter @p5 [tilespmem:s16], [sflag:s15], $0xC800, $0x200038;
	[tilespmem:$0x19800] =	vst v63  }
0x4a: {  	_ =	strace @p5 $0x9000004C  }
0x4b: {  	s29 =	sshll.u32 @p4 s29, $0x7;
	_ =	strace @!p1 $0x8000004D  }
0x4c: {  	s19 =	sadd.s32 s26, s19;
	s21 =	sadd.s32 s26, s21;
	_ =	swait.ge @!p1 [sflag:s24], $0xC800  }
0x4d: {  	s29 =	sand.u32 @p4 $0x1FFFFF80, s29;
	s15 =	simm.s32 $0x1;
	[sflag:s24] =	ssyncset.done @!p1 $0x0  }
0x4e: {  	s26 =	sadd.s32 @p4 s4, s29;
	s15 =	simm.s32 @!p4 $0x0;
	[sflag:s24] =	ssyncadd.s32 @!p1 $0xFFFF3800  }
0x4f: {  	s16 =	sshll.u32 @p4 s25, $0xA;
	s18 =	sadd.s32 s15, s18;
	_ =	strace @!p1 $0x9000004D  }
0x50: {  	s15 =	simm.s32 @p4 $0x0;
	s24 =	sor.u32 @p4 $0x2, s25;
	_ =	strace @p4 $0x80000049  }
0x51: {  	[tilespmem:s16], [sflag:s24] =	stream.linear.gather @p4 [hbm4b:s26+s15], $0x400, $0x200038;
	[tilespmem:$0x19800] =	vst v63  }
0x52: {  	s29 =	sand.u32 $0x1, s21;
	_ =	strace @p4 $0x90000049  }
0x53: {  	s25 =	sor.u32 $0x2, s29;
	_ =	strace $0x8000004A  }
0x54: {  	s15 =	sand.u32 $0x1, s19;
	_ =	swait.ge [sflag:s25], $0x400  }
0x55: {  	s26 =	smul.u32 $0x32000, s15;
	[sflag:s25] =	ssyncset.done $0x0  }
0x56: {  	[sflag:s25] =	ssyncadd.s32 $0xFFFFFC00  }
0x57: {  	s28 =	sshll.u32 s21, $0xA;
	s24 =	sshrl.u32 s26, $0x2;
	_ =	strace $0x9000004A  }
0x58: {  	s16 =	sadd.s32 $0x800, s24;
	s25 =	sand.u32 $0x400, s28;
	_ =	strace $0x8000004B  }
0x59: {  	[tilespmem:s16], [sflag:$0x1] =	stream.indirect.gather [hbm4b:s1+s9], $0x80, s25, s9, $0x2000b8;
	[tilespmem:$0x19800] =	vst v63  }
0x5a: {  	s30 =	sadd.s32 $0x2100, s24;
	s28 =	sor.u32 $0x80, s25  }
0x5b: {  	[tilespmem:s30], [sflag:$0x1] =	stream.indirect.gather [hbm4b:s1+s9], $0x80, s28, s9, $0x2000b8;
	[tilespmem:$0x19800] =	vst v63  }
0x5c: {  	s31 =	sadd.s32 $0x3A00, s24;
	s28 =	sor.u32 $0x100, s25  }
0x5d: {  	[tilespmem:s31], [sflag:$0x1] =	stream.indirect.gather [hbm4b:s1+s9], $0x80, s28, s9, $0x2000b8;
	[tilespmem:$0x19800] =	vst v63  }
0x5e: {  	s30 =	sadd.s32 $0x5300, s24;
	s28 =	sor.u32 $0x180, s25  }
0x5f: {  	[tilespmem:s30], [sflag:$0x1] =	stream.indirect.gather [hbm4b:s1+s9], $0x80, s28, s9, $0x2000b8;
	[tilespmem:$0x19800] =	vst v63  }
0x60: {  	s31 =	sadd.s32 $0x6C00, s24;
	s28 =	sor.u32 $0x200, s25  }
0x61: {  	[tilespmem:s31], [sflag:$0x1] =	stream.indirect.gather [hbm4b:s1+s9], $0x80, s28, s9, $0x2000b8;
	[tilespmem:$0x19800] =	vst v63  }
0x62: {  	s30 =	sadd.s32 $0x8500, s24;
	s28 =	sor.u32 $0x280, s25  }
0x63: {  	[tilespmem:s30], [sflag:$0x1] =	stream.indirect.gather [hbm4b:s1+s9], $0x80, s28, s9, $0x2000b8;
	[tilespmem:$0x19800] =	vst v63  }
0x64: {  	s31 =	sadd.s32 $0x9E00, s24;
	s28 =	sor.u32 $0x300, s25  }
0x65: {  	[tilespmem:s31], [sflag:$0x1] =	stream.indirect.gather [hbm4b:s1+s9], $0x80, s28, s9, $0x2000b8;
	[tilespmem:$0x19800] =	vst v63  }
0x66: {  	s24 =	sadd.s32 $0xB700, s24;
	s25 =	sor.u32 $0x380, s25  }
0x67: {  	[tilespmem:s24], [sflag:$0x1] =	stream.indirect.gather [hbm4b:s1+s9], $0x80, s25, s9, $0x2000b8;
	[tilespmem:$0x19800] =	vst v63  }
0x68: {  	_ =	swait.ge [sflag:s8], $0x1900  }
0x69: {  	[sflag:s8] =	ssyncset.done $0x0  }
0x6a: {  	[sflag:s8] =	ssyncadd.s32 $0xFFFFE700  }
0x6b: {  	_ =	swait.ge [sflag:s8], $0x1900  }
0x6c: {  	[sflag:s8] =	ssyncset.done $0x0  }
0x6d: {  	[sflag:s8] =	ssyncadd.s32 $0xFFFFE700  }
0x6e: {  	_ =	swait.ge [sflag:s8], $0x1900  }
0x6f: {  	[sflag:s8] =	ssyncset.done $0x0  }
0x70: {  	[sflag:s8] =	ssyncadd.s32 $0xFFFFE700  }
0x71: {  	_ =	swait.ge [sflag:s8], $0x1900  }
0x72: {  	[sflag:s8] =	ssyncset.done $0x0  }
0x73: {  	[sflag:s8] =	ssyncadd.s32 $0xFFFFE700  }
0x74: {  	s22 =	smov.u32 s13;
	s13 =	smov.u32 s17;
	_ =	swait.ge [sflag:s8], $0x1900  }
0x75: {  	s17 =	sadd.s32 $0xFFFFFFFF, s17;
	p6 =	seq.s32 s22, $0x1;
	[sflag:s8] =	ssyncset.done $0x0  }
0x76: {  	p5 =	sne.s32 s22, $0x10;
	s22 =	simm.s32 $0x1;
	[sflag:s8] =	ssyncadd.s32 $0xFFFFE700  }
0x77: {  	p3 =	sne.s32 s17, $0x0;
	s22 =	simm.s32 @!p5 $0x0;
	_ =	swait.ge [sflag:s8], $0x1900  }
0x78: {  	s23 =	sand.u32 @!p2 $0x1, s14;
	s14 =	sadd.s32 s22, s14;
	[sflag:s8] =	ssyncset.done $0x0  }
0x79: {  	p1 =	por p2, p2;
	p2 =	seq.s32 s13, $0x10;
	[sflag:s8] =	ssyncadd.s32 $0xFFFFE700  }
0x7a: {  	s26 =	simm.s32 $0x1;
	s25 =	sadd.s32 s5, s12;
	_ =	swait.ge [sflag:s8], $0x1900  }
0x7b: {  	s12 =	smov.u32 s20;
	s20 =	sadd.s32 $0x1, s20;
	[sflag:s8] =	ssyncset.done $0x0  }
0x7c: {  	s24 =	sor.u32 @!p1 $0x4, s23;
	p5 =	seq.s32 s20, $0x10;
	[sflag:s8] =	ssyncadd.s32 $0xFFFFE700  }
0x7d: {  	s20 =	simm.s32 @p5 $0x0;
	p5 =	por p6, p0;
	_ =	swait.ge [sflag:s8], $0x1900  }
.Ltmp0:
0x7e: {  	p6 =	sne.s32 s13, $0x1;
	[sflag:s8] =	ssyncset.done $0x0;
	(pc) =	sbr.rel @p3 .LBB2_2-.Ltmp0, $4  }
0x7f: {  	p0 =	sne.s32 s12, s20;
	s23 =	simm.s32 @p5 $0x0;
	[sflag:s8] =	ssyncadd.s32 $0xFFFFE700  }
0x80: {  	s22 =	smul.u32 @p5 $0xC800, s25;
	p4 =	por !p6, !p0;
	_ =	strace $0x9000004B  }
0x81: {  	s26 =	simm.s32 @!p5 $0x0;
	p4 =	por !p4, !p4;
	_ =	strace @p5 $0x8000004C  }
0x82: {  	s25 =	sand.u32 @p4 $0x1, s18;
	s29 =	sadd.s32 @p4 s5, s20;
	s28 =	rddreg [dreg:$0x4]  }
0x83: {  	s17 =	sshrl.u32 @p5 s22, $0x3  }
0x84: {  	s15 =	sor.u32 @p5 $0x4, s15;
	s17 =	sadd.s32 @p5 s28, s17  }
0x85: {  	[hbm4b:s17+s23] =	stream.linear.scatter @p5 [tilespmem:s16], [sflag:s15], $0xC800, $0x200038;
	[tilespmem:$0x19800] =	vst v63  }
0x86: {  	_ =	strace @p5 $0x9000004C  }
0x87: {  	_ =	strace @!p1 $0x8000004D  }
0x88: {  	_ =	swait.ge @!p1 [sflag:s24], $0xC800  }
0x89: {  	s18 =	sshll.u32 @p4 s25, $0xA;
	[sflag:s24] =	ssyncset.done @!p1 $0x0  }
0x8a: {  	s20 =	sor.u32 @p4 $0x2, s25;
	s15 =	sshll.u32 @p4 s29, $0x7;
	[sflag:s24] =	ssyncadd.s32 @!p1 $0xFFFF3800  }
0x8b: {  	s23 =	sadd.s32 s26, s21;
	s15 =	sand.u32 @p4 $0x1FFFFF80, s15;
	_ =	strace @!p1 $0x9000004D  }
0x8c: {  	s17 =	simm.s32 @p4 $0x0;
	s15 =	sadd.s32 @p4 s4, s15;
	_ =	strace @p4 $0x80000049  }
0x8d: {  	[tilespmem:s18], [sflag:s20] =	stream.linear.gather @p4 [hbm4b:s15+s17], $0x400, $0x200038;
	[tilespmem:$0x19800] =	vst v63  }
0x8e: {  	s25 =	sand.u32 $0x1, s23;
	_ =	strace @p4 $0x90000049  }
0x8f: {  	s28 =	sadd.s32 s26, s19;
	s29 =	sor.u32 $0x2, s25;
	_ =	strace $0x8000004A  }
0x90: {  	s15 =	sand.u32 $0x1, s28;
	_ =	swait.ge [sflag:s29], $0x400  }
0x91: {  	s17 =	smul.u32 $0x32000, s15;
	[sflag:s29] =	ssyncset.done $0x0  }
0x92: {  	[sflag:s29] =	ssyncadd.s32 $0xFFFFFC00  }
0x93: {  	s16 =	sshll.u32 s23, $0xA;
	s17 =	sshrl.u32 s17, $0x2;
	_ =	strace $0x9000004A  }
0x94: {  	s16 =	sand.u32 $0x400, s16;
	s18 =	sadd.s32 $0x800, s17;
	_ =	strace $0x8000004B  }
0x95: {  	[tilespmem:s18], [sflag:$0x1] =	stream.indirect.gather [hbm4b:s1+s9], $0x80, s16, s9, $0x2000b8;
	[tilespmem:$0x19800] =	vst v63  }
0x96: {  	s31 =	sor.u32 $0x80, s16;
	s30 =	sadd.s32 $0x2100, s17  }
0x97: {  	[tilespmem:s30], [sflag:$0x1] =	stream.indirect.gather [hbm4b:s1+s9], $0x80, s31, s9, $0x2000b8;
	[tilespmem:$0x19800] =	vst v63  }
0x98: {  	s22 =	sor.u32 $0x100, s16;
	s21 =	sadd.s32 $0x3A00, s17  }
0x99: {  	[tilespmem:s21], [sflag:$0x1] =	stream.indirect.gather [hbm4b:s1+s9], $0x80, s22, s9, $0x2000b8;
	[tilespmem:$0x19800] =	vst v63  }
0x9a: {  	s24 =	sor.u32 $0x180, s16;
	s23 =	sadd.s32 $0x5300, s17  }
0x9b: {  	[tilespmem:s23], [sflag:$0x1] =	stream.indirect.gather [hbm4b:s1+s9], $0x80, s24, s9, $0x2000b8;
	[tilespmem:$0x19800] =	vst v63  }
0x9c: {  	s26 =	sor.u32 $0x200, s16;
	s25 =	sadd.s32 $0x6C00, s17  }
0x9d: {  	[tilespmem:s25], [sflag:$0x1] =	stream.indirect.gather [hbm4b:s1+s9], $0x80, s26, s9, $0x2000b8;
	[tilespmem:$0x19800] =	vst v63  }
0x9e: {  	s28 =	sadd.s32 $0x8500, s17;
	s29 =	sor.u32 $0x280, s16  }
0x9f: {  	[tilespmem:s28], [sflag:$0x1] =	stream.indirect.gather [hbm4b:s1+s9], $0x80, s29, s9, $0x2000b8;
	[tilespmem:$0x19800] =	vst v63  }
0xa0: {  	s30 =	sadd.s32 $0x9E00, s17;
	s31 =	sor.u32 $0x300, s16  }
0xa1: {  	[tilespmem:s30], [sflag:$0x1] =	stream.indirect.gather [hbm4b:s1+s9], $0x80, s31, s9, $0x2000b8;
	[tilespmem:$0x19800] =	vst v63  }
0xa2: {  	s17 =	sadd.s32 $0xB700, s17;
	s16 =	sor.u32 $0x380, s16  }
0xa3: {  	[tilespmem:s17], [sflag:$0x1] =	stream.indirect.gather [hbm4b:s1+s9], $0x80, s16, s9, $0x2000b8;
	[tilespmem:$0x19800] =	vst v63  }
0xa4: {  	_ =	swait.ge [sflag:s8], $0x1900  }
0xa5: {  	[sflag:s8] =	ssyncset.done $0x0  }
0xa6: {  	[sflag:s8] =	ssyncadd.s32 $0xFFFFE700  }
0xa7: {  	_ =	swait.ge [sflag:s8], $0x1900  }
0xa8: {  	[sflag:s8] =	ssyncset.done $0x0  }
0xa9: {  	[sflag:s8] =	ssyncadd.s32 $0xFFFFE700  }
0xaa: {  	_ =	swait.ge [sflag:s8], $0x1900  }
0xab: {  	[sflag:s8] =	ssyncset.done $0x0  }
0xac: {  	[sflag:s8] =	ssyncadd.s32 $0xFFFFE700  }
0xad: {  	_ =	swait.ge [sflag:s8], $0x1900  }
0xae: {  	[sflag:s8] =	ssyncset.done $0x0  }
0xaf: {  	[sflag:s8] =	ssyncadd.s32 $0xFFFFE700  }
0xb0: {  	_ =	swait.ge [sflag:s8], $0x1900  }
0xb1: {  	[sflag:s8] =	ssyncset.done $0x0  }
0xb2: {  	[sflag:s8] =	ssyncadd.s32 $0xFFFFE700  }
0xb3: {  	_ =	swait.ge [sflag:s8], $0x1900  }
0xb4: {  	[sflag:s8] =	ssyncset.done $0x0  }
0xb5: {  	[sflag:s8] =	ssyncadd.s32 $0xFFFFE700  }
0xb6: {  	_ =	swait.ge [sflag:s8], $0x1900  }
0xb7: {  	[sflag:s8] =	ssyncset.done $0x0  }
0xb8: {  	[sflag:s8] =	ssyncadd.s32 $0xFFFFE700  }
0xb9: {  	_ =	swait.ge [sflag:s8], $0x1900  }
0xba: {  	p6 =	seq.s32 s13, $0x1;
	[sflag:s8] =	ssyncset.done $0x0  }
0xbb: {  	s12 =	sadd.s32 s5, s12;
	p0 =	por p6, p0;
	[sflag:s8] =	ssyncadd.s32 $0xFFFFE700  }
0xbc: {  	s12 =	smul.u32 @p0 $0xC800, s12;
	_ =	strace $0x9000004B  }
0xbd: {  	_ =	strace @p0 $0x8000004C  }
0xbe: {  	s12 =	sshrl.u32 @p0 s12, $0x3;
	s13 =	rddreg [dreg:$0x4]  }
0xbf: {  	s15 =	sor.u32 @p0 $0x4, s15;
	s16 =	simm.s32 @p0 $0x0;
	s12 =	sadd.s32 @p0 s13, s12  }
0xc0: {  	[hbm4b:s12+s16] =	stream.linear.scatter @p0 [tilespmem:s18], [sflag:s15], $0xC800, $0x200038;
	[tilespmem:$0x19800] =	vst v63  }
0xc1: {  	p1 =	por p2, p2;
	s12 =	sand.u32 @!p2 $0x1, s14;
	_ =	strace @p0 $0x9000004C  }
0xc2: {  	s12 =	sor.u32 @!p1 $0x4, s12;
	_ =	strace @!p1 $0x8000004D  }
0xc3: {  	_ =	swait.ge @!p1 [sflag:s12], $0xC800  }
0xc4: {  	[sflag:s12] =	ssyncset.done @!p1 $0x0  }
0xc5: {  	s11 =	sadd.s32 $0x1, s11;
	[sflag:s12] =	ssyncadd.s32 @!p1 $0xFFFF3800  }
0xc6: {  	p0 =	sne.s32 s11, s7;
	_ =	strace @!p1 $0x9000004D  }
.Ltmp1:
0xc7: {  	_ =	strace $0x8000004E;
	(pc) =	sbr.rel @p0 .LBB2_1-.Ltmp1, $4  }
0xc8: {  	_ =	swait.ge [sflag:s10], $0xC800  }
0xc9: {  	[sflag:s10] =	ssyncset.done $0x0  }
0xca: {  	[sflag:s10] =	ssyncadd.s32 $0xFFFF3800  }
0xcb: {  	_ =	strace $0x9000004E  }
0xcc: {  	_ =	sfence.sel $0x180000  }
0xcd: {  	[bflag:$0x0] =	sbarrier.arrive $0xFFFF  }
0xce: {  	p0 =	sne.s32 s3, $0x0;
	_ =	strace $0x90000047  }
0xcf: {  	s0 =	sadd.s32 @!p0 $0x100000, s0;
	[bflag:$0x2] =	sbarrier.arrive $0xFFFF  }
0xd0: {  	[sflag:s0] =	ssyncadd.tile.s32 @!p0 $0x1;
	_ =	shalt  }
.Lfunc_end2:
_tile_overlayer_lowered:
.L_overlay_start_2:
0xd1: {  	(tag) =	ssettag $0x2  }
0xd2: {  	s0 =	rddreg [dreg:$0x0];
	s2 =	stileid.u32  }
0xd3: {  	s1 =	rddreg [dreg:$0x1];
	p0 =	sne.s32 s2, $0x0  }
0xd4: {  	s3 =	rddreg [dreg:$0x2];
	[bflag:$0x3] =	sbarrier.arrive $0xFFFF;
	s2 =	simm.s32 @!p0 $0x1C02  }
0xd5: {  	[timem:s3], [sflag:s2] =	dma.local @!p0 [hbm:s0], s1  }
0xd6: {  	s0 =	simm.s32 @!p0 $0x2  }
0xd7: {  	_ =	swait.ge @!p0 [sflag:s0], s1  }
0xd8: {  	s1 =	ssub.s32 @!p0 $0x0, s1;
	[sflag:s0] =	ssyncset.done @!p0 $0x0  }
0xd9: {  	[sflag:s0] =	ssyncadd.s32 @!p0 s1  }
0xda: {  	[bflag:$0x3] =	sbarrier.arrive $0xFFFF  }
0xdb: {  	_ =	shalt  }

</sc_bundles>
